<compile_context>
chip_gen: v7x
topology: tpu7x:2x2x1
jax: 0.10.2.dev20260603
libtpu: 0.0.44.dev20260713+nightly
codegen_flags: <defaults>
</compile_context>

<pallas_src>
import jax
import jax.numpy as jnp
from jax import lax
from jax.experimental import pallas as pl
from jax.experimental.pallas import tpu as pltpu
from jax.experimental.pallas import tpu_sc as plsc

N = 10000
H = 256
C = 10
G = 64
HH = 128

NS = 16
EROW = 128
MACRO = 16
ACC_ROWS = 10240
ZCH = 128


def _sc_agg_body(h2_hbm, gsrc_hbm, gdst_hbm, out_hbm,
                 sidx_v, didx_v, rows0_v, rows1_v, acc_sh, sem):
    c = lax.axis_index("c")
    s = lax.axis_index("s")
    rows_per_sub = (gdst_hbm.shape[0] - MACRO) // NS
    n_chunks = rows_per_sub // MACRO
    bufs = (rows0_v, rows1_v)

    def _zrow(i, _):
        for j in range(8):
            rows0_v[i, pl.ds(16 * j, 16)] = jnp.zeros((16,), jnp.float32)
        return 0
    lax.fori_loop(0, ZCH, _zrow, 0)
    zh = [
        pltpu.async_copy(
            rows0_v.at[pl.ds(0, ZCH)],
            acc_sh.at[pl.ds(s * (ACC_ROWS // NS) + k * ZCH, ZCH)], sem)
        for k in range(ACC_ROWS // NS // ZCH)
    ]
    for hd in zh:
        hd.wait()
    plsc.subcore_barrier()

    base = s * rows_per_sub

    def _load_idx(chunk):
        pltpu.sync_copy(gsrc_hbm.at[c, pl.ds(base + chunk * MACRO, MACRO)],
                        sidx_v)
        pltpu.sync_copy(gdst_hbm.at[pl.ds(base + chunk * MACRO, MACRO)],
                        didx_v)

    def _gather(j, p):
        pltpu.async_copy(h2_hbm.at[sidx_v.at[j]], bufs[p], sem)

    def _gwait(p):
        pltpu.make_async_copy(h2_hbm.at[sidx_v.at[0]], bufs[p], sem).wait()

    _load_idx(0)
    _gather(0, 0)

    def _chunk(t, _):
        for u in range(MACRO):
            p = u % 2
            _gwait(p)
            if u < MACRO - 1:
                _gather(u + 1, p ^ 1)
                pltpu.sync_copy(bufs[p], acc_sh.at[didx_v.at[u]], add=True)
            else:
                pltpu.sync_copy(bufs[p], acc_sh.at[didx_v.at[u]], add=True)
                _load_idx(t + 1)
                _gather(0, p ^ 1)
        return 0
    lax.fori_loop(0, n_chunks, _chunk, 0)
    _gwait(0)
    plsc.subcore_barrier()

    wb = []
    for k in range(ACC_ROWS // NS // ZCH):
        r0 = s * (ACC_ROWS // NS) + k * ZCH
        b = bufs[k % 2]
        if k >= 2:
            wb[k - 2].wait()
        pltpu.sync_copy(acc_sh.at[pl.ds(r0, ZCH)], b)
        wb.append(pltpu.async_copy(b, out_hbm.at[c, pl.ds(r0, ZCH)], sem))
    for hd in wb[-2:]:
        hd.wait()


@jax.jit
def _sc_agg(h2, gsrc3, gdst3):
    mesh = plsc.VectorSubcoreMesh(core_axis_name="c", subcore_axis_name="s")
    return pl.kernel(
        _sc_agg_body,
        out_type=jax.ShapeDtypeStruct((2, ACC_ROWS, HH), jnp.float32),
        mesh=mesh,
        scratch_types=[
            pltpu.VMEM((MACRO, EROW), jnp.int32),
            pltpu.VMEM((MACRO, EROW), jnp.int32),
            pltpu.VMEM((EROW, HH), jnp.float32),
            pltpu.VMEM((EROW, HH), jnp.float32),
            pltpu.VMEM_SHARED((ACC_ROWS, HH), jnp.float32),
            pltpu.SemaphoreType.DMA,
        ],
    )(h2, gsrc3, gdst3)


BN = 2000
GRID = N // BN
_PREC = lax.Precision.DEFAULT


def _t1_body(h_ref, agg_ref, w1_ref, b1_ref, z_ref, sum_ref, sq_ref):
    i = pl.program_id(0)
    a = h_ref[...] + jnp.concatenate([agg_ref[0], agg_ref[1]], axis=1)
    z = jnp.dot(a, w1_ref[...], preferred_element_type=jnp.float32,
                precision=_PREC) + b1_ref[...]
    z_ref[...] = z
    ps = jnp.sum(z, axis=0, keepdims=True)
    pq = jnp.sum(z * z, axis=0, keepdims=True)

    @pl.when(i == 0)
    def _():
        sum_ref[...] = ps
        sq_ref[...] = pq

    @pl.when(i != 0)
    def _():
        sum_ref[...] += ps
        sq_ref[...] += pq


def _t1(h, agg, w1, b1):
    return pl.pallas_call(
        _t1_body,
        grid=(GRID,),
        in_specs=[
            pl.BlockSpec((BN, H), lambda i: (i, 0)),
            pl.BlockSpec((2, BN, HH), lambda i: (0, i, 0)),
            pl.BlockSpec((H, H), lambda i: (0, 0)),
            pl.BlockSpec((1, H), lambda i: (0, 0)),
        ],
        out_specs=[
            pl.BlockSpec((BN, H), lambda i: (i, 0)),
            pl.BlockSpec((1, H), lambda i: (0, 0)),
            pl.BlockSpec((1, H), lambda i: (0, 0)),
        ],
        out_shape=[
            jax.ShapeDtypeStruct((N, H), jnp.float32),
            jax.ShapeDtypeStruct((1, H), jnp.float32),
            jax.ShapeDtypeStruct((1, H), jnp.float32),
        ],
    )(h, agg, w1, b1)


def _t2_body(z_ref, sum_ref, sq_ref, g_ref, be_ref, w2_ref, b2_ref, batch_ref,
             h_ref, pool_ref, cnt_ref):
    i = pl.program_id(0)
    mu = sum_ref[...] * (1.0 / N)
    var = sq_ref[...] * (1.0 / N) - mu * mu
    inv = lax.rsqrt(var + 1e-5)
    zn = (z_ref[...] - mu) * (inv * g_ref[...]) + be_ref[...]
    r = jnp.maximum(zn, 0.0)
    hnew = jnp.dot(r, w2_ref[...], preferred_element_type=jnp.float32,
                   precision=_PREC) + b2_ref[...]
    hnew = jnp.maximum(hnew, 0.0)
    h_ref[...] = hnew

    b = batch_ref[0]
    gi = lax.broadcasted_iota(jnp.int32, (G, BN), 0)
    mt = (gi == b).astype(jnp.float32)
    pp = jnp.dot(mt, hnew, preferred_element_type=jnp.float32,
                 precision=_PREC)
    pc = jnp.sum(mt, axis=1, keepdims=True)

    @pl.when(i == 0)
    def _():
        pool_ref[...] = pp
        cnt_ref[...] = pc

    @pl.when(i != 0)
    def _():
        pool_ref[...] += pp
        cnt_ref[...] += pc


def _t2(z, zsum, zsq, g, be, w2, b2, batch3):
    return pl.pallas_call(
        _t2_body,
        grid=(GRID,),
        in_specs=[
            pl.BlockSpec((BN, H), lambda i: (i, 0)),
            pl.BlockSpec((1, H), lambda i: (0, 0)),
            pl.BlockSpec((1, H), lambda i: (0, 0)),
            pl.BlockSpec((1, H), lambda i: (0, 0)),
            pl.BlockSpec((1, H), lambda i: (0, 0)),
            pl.BlockSpec((H, H), lambda i: (0, 0)),
            pl.BlockSpec((1, H), lambda i: (0, 0)),
            pl.BlockSpec((1, 1, BN), lambda i: (i, 0, 0)),
        ],
        out_specs=[
            pl.BlockSpec((BN, H), lambda i: (i, 0)),
            pl.BlockSpec((G, H), lambda i: (0, 0)),
            pl.BlockSpec((G, 1), lambda i: (0, 0)),
        ],
        out_shape=[
            jax.ShapeDtypeStruct((N, H), jnp.float32),
            jax.ShapeDtypeStruct((G, H), jnp.float32),
            jax.ShapeDtypeStruct((G, 1), jnp.float32),
        ],
    )(z, zsum, zsq, g, be, w2, b2, batch3)


def _fin_body(p_ref, cnt_ref, wp_ref, bp_ref, out_ref):
    cnt = jnp.maximum(cnt_ref[...], 1.0)
    pooled = (p_ref[0] + p_ref[1] + p_ref[2]) / cnt
    score = jnp.dot(pooled, wp_ref[...], preferred_element_type=jnp.float32,
                    precision=_PREC) + 3.0 * bp_ref[...]
    m = jnp.max(score, axis=1, keepdims=True)
    e = jnp.exp(score - m)
    lse = jnp.log(jnp.sum(e, axis=1, keepdims=True))
    out_ref[...] = score - m - lse


def _fin(pools, cnt, wp, bp):
    return pl.pallas_call(
        _fin_body,
        out_shape=jax.ShapeDtypeStruct((G, C), jnp.float32),
    )(pools, cnt, wp, bp)


def kernel(x, edge_index, batch,
           w1_0, b1_0, g_0, be_0, w2_0, b2_0,
           w1_1, b1_1, g_1, be_1, w2_1, b2_1,
           w1_2, b1_2, g_2, be_2, w2_2, b2_2,
           wp, bp):
    e = edge_index.shape[1]
    epad = ((e + NS * EROW * MACRO - 1) // (NS * EROW * MACRO)) * NS * EROW * MACRO
    epad += MACRO * EROW
    src2 = edge_index[0] * 2
    gsrc = jnp.stack([src2, src2 + 1])
    gsrc3 = jnp.pad(gsrc, ((0, 0), (0, epad - e))).reshape(2, epad // EROW, EROW)
    gdst3 = jnp.pad(edge_index[1], (0, epad - e),
                    constant_values=N).reshape(epad // EROW, EROW)
    batch3 = batch.reshape(GRID, 1, BN)

    params = [
        (w1_0, b1_0, g_0, be_0, w2_0, b2_0),
        (w1_1, b1_1, g_1, be_1, w2_1, b2_1),
        (w1_2, b1_2, g_2, be_2, w2_2, b2_2),
    ]

    h = x
    pools = []
    cnt = None
    for (w1, b1, g, be, w2, b2) in params:
        agg = _sc_agg(h.reshape(2 * N, HH), gsrc3, gdst3)
        z, zsum, zsq = _t1(h, agg, w1, b1.reshape(1, H))
        h, pool_l, cnt = _t2(z, zsum, zsq, g.reshape(1, H), be.reshape(1, H),
                             w2, b2.reshape(1, H), batch3)
        pools.append(pool_l)

    return _fin(jnp.stack(pools), cnt, wp, bp.reshape(1, C))

# --- scband reference (transcript-rebuilt; emitter-appended) ---
"""Pipeline reference for scband-ginclassification-80418967650356 (READ-ONLY COPY).

The authoritative reference and input builder live on the scoring server;
editing this copy changes nothing except your own understanding.
"""

import jax, jax.numpy as jnp
import numpy as np

N = 10000
E = 160000
NF = 256
H = 256
C = 10
L = 3
G = 64


def setup_inputs(seed: int = 0) -> dict:
    key = jax.random.key(seed)
    ks = jax.random.split(key, 40)
    inp = {}
    inp["x"] = jax.random.normal(ks[0], (N, NF), dtype=jnp.float32)
    inp["edge_index"] = jax.random.randint(ks[1], (2, E), 0, N, dtype=jnp.int32)
    inp["batch"] = jnp.sort(jax.random.randint(ks[2], (N,), 0, G, dtype=jnp.int32))
    k = 3
    for i in range(L):
        din = NF if i == 0 else H
        inp[f"w1_{i}"] = jax.random.normal(ks[k], (din, H), dtype=jnp.float32) * (1.0 / np.sqrt(din)); k += 1
        inp[f"b1_{i}"] = jnp.zeros((H,), dtype=jnp.float32)
        inp[f"g_{i}"] = jnp.ones((H,), dtype=jnp.float32)
        inp[f"be_{i}"] = jnp.zeros((H,), dtype=jnp.float32)
        inp[f"w2_{i}"] = jax.random.normal(ks[k], (H, H), dtype=jnp.float32) * (1.0 / np.sqrt(H)); k += 1
        inp[f"b2_{i}"] = jnp.zeros((H,), dtype=jnp.float32)
    inp["wp"] = jax.random.normal(ks[k], (H, C), dtype=jnp.float32) * (1.0 / np.sqrt(H))
    inp["bp"] = jnp.zeros((C,), dtype=jnp.float32)
    return inp


def _mlp(h, w1, b1, g, be, w2, b2):
    # 2-layer MLP with BatchNorm1d (training-mode batch stats) and ReLU
    h = h @ w1 + b1
    mu = jnp.mean(h, axis=0)
    var = jnp.var(h, axis=0)
    h = (h - mu) / jnp.sqrt(var + 1e-5) * g + be
    h = jax.nn.relu(h)
    return h @ w2 + b2


def _fwd(x, layer_params, wp, bp, edge_index, batch):
    src = edge_index[0]
    dst = edge_index[1]
    hidden_reps = []
    h = x
    for p in layer_params:
        # GINConv: mlp((1 + eps) * x + sum_{j in N(i)} x_j), eps = 0
        agg = jax.ops.segment_sum(h[src], dst, num_segments=N)
        h = jax.nn.relu(_mlp(h + agg, *p))
        hidden_reps.append(h)
    counts = jnp.maximum(
        jax.ops.segment_sum(jnp.ones((N,), jnp.float32), batch, num_segments=G), 1.0
    )
    score = jnp.zeros((G, C), dtype=jnp.float32)
    for h in hidden_reps:
        pooled = jax.ops.segment_sum(h, batch, num_segments=G) / counts[:, None]
        score = score + (pooled @ wp + bp)
    return jax.nn.log_softmax(score, axis=1)


def reference(x, edge_index, batch,
              w1_0, b1_0, g_0, be_0, w2_0, b2_0,
              w1_1, b1_1, g_1, be_1, w2_1, b2_1,
              w1_2, b1_2, g_2, be_2, w2_2, b2_2,
              wp, bp):
    layer_params = [
        (w1_0, b1_0, g_0, be_0, w2_0, b2_0),
        (w1_1, b1_1, g_1, be_1, w2_1, b2_1),
        (w1_2, b1_2, g_2, be_2, w2_2, b2_2),
    ]
    return _fwd(x, layer_params, wp, bp, edge_index, batch)

if __name__ == "__main__":
    import jax
    _d = setup_inputs()
    print(jax.jit(kernel)(*tuple(_d.values())))

</pallas_src>

<mosaic_0001>
#map = affine_map<(d0, d1) -> (0, 0)>
#map1 = affine_map<(d0, d1) -> (0, 0, 0)>
module attributes {stable_mosaic.version = 14 : i64} {
  func.func @_sc_agg_body(%arg0: i32, %arg1: i32, %arg2: memref<20000x128xf32, #tpu.memory_space<hbm>>, %arg3: memref<2x1296x128xi32, #tpu.memory_space<hbm>>, %arg4: memref<1296x128xi32, #tpu.memory_space<hbm>>, %arg5: memref<2x10240x128xf32, #tpu.memory_space<hbm>>, %arg6: memref<16x128xi32, #tpu.memory_space<vmem>>, %arg7: memref<16x128xi32, #tpu.memory_space<vmem>>, %arg8: memref<128x128xf32, #tpu.memory_space<vmem>>, %arg9: memref<128x128xf32, #tpu.memory_space<vmem>>, %arg10: memref<10240x128xf32, #tpu.memory_space<vmem_shared>>, %arg11: memref<!tpu.dma_semaphore, #tpu.memory_space<semaphore_mem>>) attributes {dimension_semantics = [#tpu.dimension_semantics<core_parallel>, #tpu.dimension_semantics<subcore_parallel>], iteration_bounds = array<i64: 2, 16>, scalar_prefetch = 0 : i64, scratch_operands = 6 : i64, tpu.core_type = #tpu.core_type<sc_vector_subcore>, window_params = [{transform_indices = #map}, {transform_indices = #map1}, {transform_indices = #map}, {transform_indices = #map1}]} {
    %scan3A = arith.constant 0 : i32
    %scan3A_0 = arith.constant 0 : i32
    %scan3A_1 = arith.constant 128 : i32
    %scan3A_2 = arith.addi %scan3A_0, %scan3A_1 : i32
    %scan3A_3 = arith.constant 1 : i32
    %scan3A_4 = scf.for %scan3A_230 = %scan3A_0 to %scan3A_2 step %scan3A_3 iter_args(%scan3A_231 = %scan3A) -> (i32)  : i32 {
      %broadcast_in_dim3A = arith.constant 0.000000e+00 : f32
      %broadcast_in_dim3A_232 = vector.broadcast %broadcast_in_dim3A : f32 to vector<16xf32>
      %swap3A = arith.index_cast %scan3A_230 : i32 to index
      %swap3A_233 = arith.constant 0 : index
      %swap3A_234 = tpu.vector_load %arg8[%swap3A, %swap3A_233] {strides = array<i32>} : memref<128x128xf32, #tpu.memory_space<vmem>>, vector<1x16xf32>,
      %swap3A_235 = vector.shape_cast %swap3A_234 : vector<1x16xf32> to vector<16xf32>
      %swap3A_236 = vector.shape_cast %broadcast_in_dim3A_232 : vector<16xf32> to vector<1x16xf32>
      tpu.vector_store %arg8[%swap3A, %swap3A_233], %swap3A_236 {strides = array<i32>} : memref<128x128xf32, #tpu.memory_space<vmem>>, vector<1x16xf32>,
      %broadcast_in_dim3A_237 = arith.constant 0.000000e+00 : f32
      %broadcast_in_dim3A_238 = vector.broadcast %broadcast_in_dim3A_237 : f32 to vector<16xf32>
      %swap3A_239 = arith.index_cast %scan3A_230 : i32 to index
      %swap3A_240 = arith.constant 16 : index
      %swap3A_241 = tpu.vector_load %arg8[%swap3A_239, %swap3A_240] {strides = array<i32>} : memref<128x128xf32, #tpu.memory_space<vmem>>, vector<1x16xf32>,
      %swap3A_242 = vector.shape_cast %swap3A_241 : vector<1x16xf32> to vector<16xf32>
      %swap3A_243 = vector.shape_cast %broadcast_in_dim3A_238 : vector<16xf32> to vector<1x16xf32>
      tpu.vector_store %arg8[%swap3A_239, %swap3A_240], %swap3A_243 {strides = array<i32>} : memref<128x128xf32, #tpu.memory_space<vmem>>, vector<1x16xf32>,
      %broadcast_in_dim3A_244 = arith.constant 0.000000e+00 : f32
      %broadcast_in_dim3A_245 = vector.broadcast %broadcast_in_dim3A_244 : f32 to vector<16xf32>
      %swap3A_246 = arith.index_cast %scan3A_230 : i32 to index
      %swap3A_247 = arith.constant 32 : index
      %swap3A_248 = tpu.vector_load %arg8[%swap3A_246, %swap3A_247] {strides = array<i32>} : memref<128x128xf32, #tpu.memory_space<vmem>>, vector<1x16xf32>,
      %swap3A_249 = vector.shape_cast %swap3A_248 : vector<1x16xf32> to vector<16xf32>
      %swap3A_250 = vector.shape_cast %broadcast_in_dim3A_245 : vector<16xf32> to vector<1x16xf32>
      tpu.vector_store %arg8[%swap3A_246, %swap3A_247], %swap3A_250 {strides = array<i32>} : memref<128x128xf32, #tpu.memory_space<vmem>>, vector<1x16xf32>,
      %broadcast_in_dim3A_251 = arith.constant 0.000000e+00 : f32
      %broadcast_in_dim3A_252 = vector.broadcast %broadcast_in_dim3A_251 : f32 to vector<16xf32>
      %swap3A_253 = arith.index_cast %scan3A_230 : i32 to index
      %swap3A_254 = arith.constant 48 : index
      %swap3A_255 = tpu.vector_load %arg8[%swap3A_253, %swap3A_254] {strides = array<i32>} : memref<128x128xf32, #tpu.memory_space<vmem>>, vector<1x16xf32>,
      %swap3A_256 = vector.shape_cast %swap3A_255 : vector<1x16xf32> to vector<16xf32>
      %swap3A_257 = vector.shape_cast %broadcast_in_dim3A_252 : vector<16xf32> to vector<1x16xf32>
      tpu.vector_store %arg8[%swap3A_253, %swap3A_254], %swap3A_257 {strides = array<i32>} : memref<128x128xf32, #tpu.memory_space<vmem>>, vector<1x16xf32>,
      %broadcast_in_dim3A_258 = arith.constant 0.000000e+00 : f32
      %broadcast_in_dim3A_259 = vector.broadcast %broadcast_in_dim3A_258 : f32 to vector<16xf32>
      %swap3A_260 = arith.index_cast %scan3A_230 : i32 to index
      %swap3A_261 = arith.constant 64 : index
      %swap3A_262 = tpu.vector_load %arg8[%swap3A_260, %swap3A_261] {strides = array<i32>} : memref<128x128xf32, #tpu.memory_space<vmem>>, vector<1x16xf32>,
      %swap3A_263 = vector.shape_cast %swap3A_262 : vector<1x16xf32> to vector<16xf32>
      %swap3A_264 = vector.shape_cast %broadcast_in_dim3A_259 : vector<16xf32> to vector<1x16xf32>
      tpu.vector_store %arg8[%swap3A_260, %swap3A_261], %swap3A_264 {strides = array<i32>} : memref<128x128xf32, #tpu.memory_space<vmem>>, vector<1x16xf32>,
      %broadcast_in_dim3A_265 = arith.constant 0.000000e+00 : f32
      %broadcast_in_dim3A_266 = vector.broadcast %broadcast_in_dim3A_265 : f32 to vector<16xf32>
      %swap3A_267 = arith.index_cast %scan3A_230 : i32 to index
      %swap3A_268 = arith.constant 80 : index
      %swap3A_269 = tpu.vector_load %arg8[%swap3A_267, %swap3A_268] {strides = array<i32>} : memref<128x128xf32, #tpu.memory_space<vmem>>, vector<1x16xf32>,
      %swap3A_270 = vector.shape_cast %swap3A_269 : vector<1x16xf32> to vector<16xf32>
      %swap3A_271 = vector.shape_cast %broadcast_in_dim3A_266 : vector<16xf32> to vector<1x16xf32>
      tpu.vector_store %arg8[%swap3A_267, %swap3A_268], %swap3A_271 {strides = array<i32>} : memref<128x128xf32, #tpu.memory_space<vmem>>, vector<1x16xf32>,
      %broadcast_in_dim3A_272 = arith.constant 0.000000e+00 : f32
      %broadcast_in_dim3A_273 = vector.broadcast %broadcast_in_dim3A_272 : f32 to vector<16xf32>
      %swap3A_274 = arith.index_cast %scan3A_230 : i32 to index
      %swap3A_275 = arith.constant 96 : index
      %swap3A_276 = tpu.vector_load %arg8[%swap3A_274, %swap3A_275] {strides = array<i32>} : memref<128x128xf32, #tpu.memory_space<vmem>>, vector<1x16xf32>,
      %swap3A_277 = vector.shape_cast %swap3A_276 : vector<1x16xf32> to vector<16xf32>
      %swap3A_278 = vector.shape_cast %broadcast_in_dim3A_273 : vector<16xf32> to vector<1x16xf32>
      tpu.vector_store %arg8[%swap3A_274, %swap3A_275], %swap3A_278 {strides = array<i32>} : memref<128x128xf32, #tpu.memory_space<vmem>>, vector<1x16xf32>,
      %broadcast_in_dim3A_279 = arith.constant 0.000000e+00 : f32
      %broadcast_in_dim3A_280 = vector.broadcast %broadcast_in_dim3A_279 : f32 to vector<16xf32>
      %swap3A_281 = arith.index_cast %scan3A_230 : i32 to index
      %swap3A_282 = arith.constant 112 : index
      %swap3A_283 = tpu.vector_load %arg8[%swap3A_281, %swap3A_282] {strides = array<i32>} : memref<128x128xf32, #tpu.memory_space<vmem>>, vector<1x16xf32>,
      %swap3A_284 = vector.shape_cast %swap3A_283 : vector<1x16xf32> to vector<16xf32>
      %swap3A_285 = vector.shape_cast %broadcast_in_dim3A_280 : vector<16xf32> to vector<1x16xf32>
      tpu.vector_store %arg8[%swap3A_281, %swap3A_282], %swap3A_285 {strides = array<i32>} : memref<128x128xf32, #tpu.memory_space<vmem>>, vector<1x16xf32>,
      %scan3A_286 = arith.constant 0 : i32
      scf.yield %scan3A_286 : i32
    }
    %scan3A_5 = arith.constant 128 : i32
    %mul3A = arith.constant 640 : i32
    %mul3A_6 = arith.muli %arg1, %mul3A : i32
    %add3A = arith.constant 0 : i32
    %add3A_7 = arith.addi %mul3A_6, %add3A : i32
    %dma_start3A = arith.constant 0 : i32
    %dma_start3A_8 = arith.constant 0 : i32
    %dma_start3A_9 = tpu.memref_slice %arg8[%dma_start3A, %dma_start3A_8] : memref<128x128xf32, #tpu.memory_space<vmem>> -> memref<128x128xf32, #tpu.memory_space<vmem>>
    %dma_start3A_10 = arith.constant 0 : i32
    %dma_start3A_11 = tpu.memref_slice %arg10[%add3A_7, %dma_start3A_10] : memref<10240x128xf32, #tpu.memory_space<vmem_shared>> -> memref<128x128xf32, #tpu.memory_space<vmem_shared>>
    %dma_start3A_12 = arith.constant 0 : i32
    %dma_start3A_13 = tpu.memref_slice %arg10[%add3A_7, %dma_start3A_12] : memref<10240x128xf32, #tpu.memory_space<vmem_shared>> -> memref<128x128xf32, #tpu.memory_space<vmem_shared>>
    %dma_start3A_14 = arith.constant 0 : i32
    %dma_start3A_15 = arith.constant 0 : i32
    %dma_start3A_16 = tpu.memref_slice %arg8[%dma_start3A_14, %dma_start3A_15] : memref<128x128xf32, #tpu.memory_space<vmem>> -> memref<128x128xf32, #tpu.memory_space<vmem>>
    tpu.enqueue_dma source(%dma_start3A_16 : memref<128x128xf32, #tpu.memory_space<vmem>>) target(%dma_start3A_13 : memref<128x128xf32, #tpu.memory_space<vmem_shared>>) target_semaphore(%arg11 : memref<!tpu.dma_semaphore, #tpu.memory_space<semaphore_mem>>)
    %mul3A_17 = arith.constant 640 : i32
    %mul3A_18 = arith.muli %arg1, %mul3A_17 : i32
    %add3A_19 = arith.constant 128 : i32
    %add3A_20 = arith.addi %mul3A_18, %add3A_19 : i32
    %dma_start3A_21 = arith.constant 0 : i32
    %dma_start3A_22 = arith.constant 0 : i32
    %dma_start3A_23 = tpu.memref_slice %arg8[%dma_start3A_21, %dma_start3A_22] : memref<128x128xf32, #tpu.memory_space<vmem>> -> memref<128x128xf32, #tpu.memory_space<vmem>>
    %dma_start3A_24 = arith.constant 0 : i32
    %dma_start3A_25 = tpu.memref_slice %arg10[%add3A_20, %dma_start3A_24] : memref<10240x128xf32, #tpu.memory_space<vmem_shared>> -> memref<128x128xf32, #tpu.memory_space<vmem_shared>>
    %dma_start3A_26 = arith.constant 0 : i32
    %dma_start3A_27 = tpu.memref_slice %arg10[%add3A_20, %dma_start3A_26] : memref<10240x128xf32, #tpu.memory_space<vmem_shared>> -> memref<128x128xf32, #tpu.memory_space<vmem_shared>>
    %dma_start3A_28 = arith.constant 0 : i32
    %dma_start3A_29 = arith.constant 0 : i32
    %dma_start3A_30 = tpu.memref_slice %arg8[%dma_start3A_28, %dma_start3A_29] : memref<128x128xf32, #tpu.memory_space<vmem>> -> memref<128x128xf32, #tpu.memory_space<vmem>>
    tpu.enqueue_dma source(%dma_start3A_30 : memref<128x128xf32, #tpu.memory_space<vmem>>) target(%dma_start3A_27 : memref<128x128xf32, #tpu.memory_space<vmem_shared>>) target_semaphore(%arg11 : memref<!tpu.dma_semaphore, #tpu.memory_space<semaphore_mem>>)
    %mul3A_31 = arith.constant 640 : i32
    %mul3A_32 = arith.muli %arg1, %mul3A_31 : i32
    %add3A_33 = arith.constant 256 : i32
    %add3A_34 = arith.addi %mul3A_32, %add3A_33 : i32
    %dma_start3A_35 = arith.constant 0 : i32
    %dma_start3A_36 = arith.constant 0 : i32
    %dma_start3A_37 = tpu.memref_slice %arg8[%dma_start3A_35, %dma_start3A_36] : memref<128x128xf32, #tpu.memory_space<vmem>> -> memref<128x128xf32, #tpu.memory_space<vmem>>
    %dma_start3A_38 = arith.constant 0 : i32
    %dma_start3A_39 = tpu.memref_slice %arg10[%add3A_34, %dma_start3A_38] : memref<10240x128xf32, #tpu.memory_space<vmem_shared>> -> memref<128x128xf32, #tpu.memory_space<vmem_shared>>
    %dma_start3A_40 = arith.constant 0 : i32
    %dma_start3A_41 = tpu.memref_slice %arg10[%add3A_34, %dma_start3A_40] : memref<10240x128xf32, #tpu.memory_space<vmem_shared>> -> memref<128x128xf32, #tpu.memory_space<vmem_shared>>
    %dma_start3A_42 = arith.constant 0 : i32
    %dma_start3A_43 = arith.constant 0 : i32
    %dma_start3A_44 = tpu.memref_slice %arg8[%dma_start3A_42, %dma_start3A_43] : memref<128x128xf32, #tpu.memory_space<vmem>> -> memref<128x128xf32, #tpu.memory_space<vmem>>
    tpu.enqueue_dma source(%dma_start3A_44 : memref<128x128xf32, #tpu.memory_space<vmem>>) target(%dma_start3A_41 : memref<128x128xf32, #tpu.memory_space<vmem_shared>>) target_semaphore(%arg11 : memref<!tpu.dma_semaphore, #tpu.memory_space<semaphore_mem>>)
    %mul3A_45 = arith.constant 640 : i32
    %mul3A_46 = arith.muli %arg1, %mul3A_45 : i32
    %add3A_47 = arith.constant 384 : i32
    %add3A_48 = arith.addi %mul3A_46, %add3A_47 : i32
    %dma_start3A_49 = arith.constant 0 : i32
    %dma_start3A_50 = arith.constant 0 : i32
    %dma_start3A_51 = tpu.memref_slice %arg8[%dma_start3A_49, %dma_start3A_50] : memref<128x128xf32, #tpu.memory_space<vmem>> -> memref<128x128xf32, #tpu.memory_space<vmem>>
    %dma_start3A_52 = arith.constant 0 : i32
    %dma_start3A_53 = tpu.memref_slice %arg10[%add3A_48, %dma_start3A_52] : memref<10240x128xf32, #tpu.memory_space<vmem_shared>> -> memref<128x128xf32, #tpu.memory_space<vmem_shared>>
    %dma_start3A_54 = arith.constant 0 : i32
    %dma_start3A_55 = tpu.memref_slice %arg10[%add3A_48, %dma_start3A_54] : memref<10240x128xf32, #tpu.memory_space<vmem_shared>> -> memref<128x128xf32, #tpu.memory_space<vmem_shared>>
    %dma_start3A_56 = arith.constant 0 : i32
    %dma_start3A_57 = arith.constant 0 : i32
    %dma_start3A_58 = tpu.memref_slice %arg8[%dma_start3A_56, %dma_start3A_57] : memref<128x128xf32, #tpu.memory_space<vmem>> -> memref<128x128xf32, #tpu.memory_space<vmem>>
    tpu.enqueue_dma source(%dma_start3A_58 : memref<128x128xf32, #tpu.memory_space<vmem>>) target(%dma_start3A_55 : memref<128x128xf32, #tpu.memory_space<vmem_shared>>) target_semaphore(%arg11 : memref<!tpu.dma_semaphore, #tpu.memory_space<semaphore_mem>>)
    %mul3A_59 = arith.constant 640 : i32
    %mul3A_60 = arith.muli %arg1, %mul3A_59 : i32
    %add3A_61 = arith.constant 512 : i32
    %add3A_62 = arith.addi %mul3A_60, %add3A_61 : i32
    %dma_start3A_63 = arith.constant 0 : i32
    %dma_start3A_64 = arith.constant 0 : i32
    %dma_start3A_65 = tpu.memref_slice %arg8[%dma_start3A_63, %dma_start3A_64] : memref<128x128xf32, #tpu.memory_space<vmem>> -> memref<128x128xf32, #tpu.memory_space<vmem>>
    %dma_start3A_66 = arith.constant 0 : i32
    %dma_start3A_67 = tpu.memref_slice %arg10[%add3A_62, %dma_start3A_66] : memref<10240x128xf32, #tpu.memory_space<vmem_shared>> -> memref<128x128xf32, #tpu.memory_space<vmem_shared>>
    %dma_start3A_68 = arith.constant 0 : i32
    %dma_start3A_69 = tpu.memref_slice %arg10[%add3A_62, %dma_start3A_68] : memref<10240x128xf32, #tpu.memory_space<vmem_shared>> -> memref<128x128xf32, #tpu.memory_space<vmem_shared>>
    %dma_start3A_70 = arith.constant 0 : i32
    %dma_start3A_71 = arith.constant 0 : i32
    %dma_start3A_72 = tpu.memref_slice %arg8[%dma_start3A_70, %dma_start3A_71] : memref<128x128xf32, #tpu.memory_space<vmem>> -> memref<128x128xf32, #tpu.memory_space<vmem>>
    tpu.enqueue_dma source(%dma_start3A_72 : memref<128x128xf32, #tpu.memory_space<vmem>>) target(%dma_start3A_69 : memref<128x128xf32, #tpu.memory_space<vmem_shared>>) target_semaphore(%arg11 : memref<!tpu.dma_semaphore, #tpu.memory_space<semaphore_mem>>)
    %dma_wait3A = arith.constant 0 : i32
    %dma_wait3A_73 = arith.constant 0 : i32
    %dma_wait3A_74 = tpu.memref_slice %arg8[%dma_wait3A, %dma_wait3A_73] : memref<128x128xf32, #tpu.memory_space<vmem>> -> memref<128x128xf32, #tpu.memory_space<vmem>>
    %dma_wait3A_75 = arith.constant 0 : i32
    %dma_wait3A_76 = tpu.memref_slice %arg10[%add3A_7, %dma_wait3A_75] : memref<10240x128xf32, #tpu.memory_space<vmem_shared>> -> memref<128x128xf32, #tpu.memory_space<vmem_shared>>
    %dma_wait3A_77 = arith.constant 0 : i32
    %dma_wait3A_78 = tpu.memref_slice %arg10[%add3A_7, %dma_wait3A_77] : memref<10240x128xf32, #tpu.memory_space<vmem_shared>> -> memref<128x128xf32, #tpu.memory_space<vmem_shared>>
    %dma_wait3A_79 = arith.constant 0 : i32
    %dma_wait3A_80 = arith.constant 0 : i32
    %dma_wait3A_81 = tpu.memref_slice %arg8[%dma_wait3A_79, %dma_wait3A_80] : memref<128x128xf32, #tpu.memory_space<vmem>> -> memref<128x128xf32, #tpu.memory_space<vmem>>
    tpu.wait_dma2 semaphore(%arg11 : memref<!tpu.dma_semaphore, #tpu.memory_space<semaphore_mem>>) src(%dma_wait3A_81 : memref<128x128xf32, #tpu.memory_space<vmem>>) dst(%dma_wait3A_78 : memref<128x128xf32, #tpu.memory_space<vmem_shared>>)
    %dma_wait3A_82 = arith.constant 0 : i32
    %dma_wait3A_83 = arith.constant 0 : i32
    %dma_wait3A_84 = tpu.memref_slice %arg8[%dma_wait3A_82, %dma_wait3A_83] : memref<128x128xf32, #tpu.memory_space<vmem>> -> memref<128x128xf32, #tpu.memory_space<vmem>>
    %dma_wait3A_85 = arith.constant 0 : i32
    %dma_wait3A_86 = tpu.memref_slice %arg10[%add3A_20, %dma_wait3A_85] : memref<10240x128xf32, #tpu.memory_space<vmem_shared>> -> memref<128x128xf32, #tpu.memory_space<vmem_shared>>
    %dma_wait3A_87 = arith.constant 0 : i32
    %dma_wait3A_88 = tpu.memref_slice %arg10[%add3A_20, %dma_wait3A_87] : memref<10240x128xf32, #tpu.memory_space<vmem_shared>> -> memref<128x128xf32, #tpu.memory_space<vmem_shared>>
    %dma_wait3A_89 = arith.constant 0 : i32
    %dma_wait3A_90 = arith.constant 0 : i32
    %dma_wait3A_91 = tpu.memref_slice %arg8[%dma_wait3A_89, %dma_wait3A_90] : memref<128x128xf32, #tpu.memory_space<vmem>> -> memref<128x128xf32, #tpu.memory_space<vmem>>
    tpu.wait_dma2 semaphore(%arg11 : memref<!tpu.dma_semaphore, #tpu.memory_space<semaphore_mem>>) src(%dma_wait3A_91 : memref<128x128xf32, #tpu.memory_space<vmem>>) dst(%dma_wait3A_88 : memref<128x128xf32, #tpu.memory_space<vmem_shared>>)
    %dma_wait3A_92 = arith.constant 0 : i32
    %dma_wait3A_93 = arith.constant 0 : i32
    %dma_wait3A_94 = tpu.memref_slice %arg8[%dma_wait3A_92, %dma_wait3A_93] : memref<128x128xf32, #tpu.memory_space<vmem>> -> memref<128x128xf32, #tpu.memory_space<vmem>>
    %dma_wait3A_95 = arith.constant 0 : i32
    %dma_wait3A_96 = tpu.memref_slice %arg10[%add3A_34, %dma_wait3A_95] : memref<10240x128xf32, #tpu.memory_space<vmem_shared>> -> memref<128x128xf32, #tpu.memory_space<vmem_shared>>
    %dma_wait3A_97 = arith.constant 0 : i32
    %dma_wait3A_98 = tpu.memref_slice %arg10[%add3A_34, %dma_wait3A_97] : memref<10240x128xf32, #tpu.memory_space<vmem_shared>> -> memref<128x128xf32, #tpu.memory_space<vmem_shared>>
    %dma_wait3A_99 = arith.constant 0 : i32
    %dma_wait3A_100 = arith.constant 0 : i32
    %dma_wait3A_101 = tpu.memref_slice %arg8[%dma_wait3A_99, %dma_wait3A_100] : memref<128x128xf32, #tpu.memory_space<vmem>> -> memref<128x128xf32, #tpu.memory_space<vmem>>
    tpu.wait_dma2 semaphore(%arg11 : memref<!tpu.dma_semaphore, #tpu.memory_space<semaphore_mem>>) src(%dma_wait3A_101 : memref<128x128xf32, #tpu.memory_space<vmem>>) dst(%dma_wait3A_98 : memref<128x128xf32, #tpu.memory_space<vmem_shared>>)
    %dma_wait3A_102 = arith.constant 0 : i32
    %dma_wait3A_103 = arith.constant 0 : i32
    %dma_wait3A_104 = tpu.memref_slice %arg8[%dma_wait3A_102, %dma_wait3A_103] : memref<128x128xf32, #tpu.memory_space<vmem>> -> memref<128x128xf32, #tpu.memory_space<vmem>>
    %dma_wait3A_105 = arith.constant 0 : i32
    %dma_wait3A_106 = tpu.memref_slice %arg10[%add3A_48, %dma_wait3A_105] : memref<10240x128xf32, #tpu.memory_space<vmem_shared>> -> memref<128x128xf32, #tpu.memory_space<vmem_shared>>
    %dma_wait3A_107 = arith.constant 0 : i32
    %dma_wait3A_108 = tpu.memref_slice %arg10[%add3A_48, %dma_wait3A_107] : memref<10240x128xf32, #tpu.memory_space<vmem_shared>> -> memref<128x128xf32, #tpu.memory_space<vmem_shared>>
    %dma_wait3A_109 = arith.constant 0 : i32
    %dma_wait3A_110 = arith.constant 0 : i32
    %dma_wait3A_111 = tpu.memref_slice %arg8[%dma_wait3A_109, %dma_wait3A_110] : memref<128x128xf32, #tpu.memory_space<vmem>> -> memref<128x128xf32, #tpu.memory_space<vmem>>
    tpu.wait_dma2 semaphore(%arg11 : memref<!tpu.dma_semaphore, #tpu.memory_space<semaphore_mem>>) src(%dma_wait3A_111 : memref<128x128xf32, #tpu.memory_space<vmem>>) dst(%dma_wait3A_108 : memref<128x128xf32, #tpu.memory_space<vmem_shared>>)
    %dma_wait3A_112 = arith.constant 0 : i32
    %dma_wait3A_113 = arith.constant 0 : i32
    %dma_wait3A_114 = tpu.memref_slice %arg8[%dma_wait3A_112, %dma_wait3A_113] : memref<128x128xf32, #tpu.memory_space<vmem>> -> memref<128x128xf32, #tpu.memory_space<vmem>>
    %dma_wait3A_115 = arith.constant 0 : i32
    %dma_wait3A_116 = tpu.memref_slice %arg10[%add3A_62, %dma_wait3A_115] : memref<10240x128xf32, #tpu.memory_space<vmem_shared>> -> memref<128x128xf32, #tpu.memory_space<vmem_shared>>
    %dma_wait3A_117 = arith.constant 0 : i32
    %dma_wait3A_118 = tpu.memref_slice %arg10[%add3A_62, %dma_wait3A_117] : memref<10240x128xf32, #tpu.memory_space<vmem_shared>> -> memref<128x128xf32, #tpu.memory_space<vmem_shared>>
    %dma_wait3A_119 = arith.constant 0 : i32
    %dma_wait3A_120 = arith.constant 0 : i32
    %dma_wait3A_121 = tpu.memref_slice %arg8[%dma_wait3A_119, %dma_wait3A_120] : memref<128x128xf32, #tpu.memory_space<vmem>> -> memref<128x128xf32, #tpu.memory_space<vmem>>
    tpu.wait_dma2 semaphore(%arg11 : memref<!tpu.dma_semaphore, #tpu.memory_space<semaphore_mem>>) src(%dma_wait3A_121 : memref<128x128xf32, #tpu.memory_space<vmem>>) dst(%dma_wait3A_118 : memref<128x128xf32, #tpu.memory_space<vmem_shared>>)
    %barrier3A = arith.constant 0 : index
    tpu.barrier barrier_id(%barrier3A)
    %mul3A_122 = arith.constant 80 : i32
    %mul3A_123 = arith.muli %arg1, %mul3A_122 : i32
    %add3A_124 = arith.constant 0 : i32
    %add3A_125 = arith.addi %mul3A_123, %add3A_124 : i32
    "tpu.region"() ({
      %run_scoped3A = tpu.sem_alloc : memref<!tpu.dma_semaphore, #tpu.memory_space<semaphore_mem>>
      %dma_start3A_230 = arith.constant 0 : i32
      %dma_start3A_231 = tpu.memref_slice %arg3[%arg0, %add3A_125, %dma_start3A_230] : memref<2x1296x128xi32, #tpu.memory_space<hbm>> -> memref<1x16x128xi32, #tpu.memory_space<hbm>>
      %dma_start3A_232 = tpu.memref_squeeze %dma_start3A_231 : memref<1x16x128xi32, #tpu.memory_space<hbm>> -> memref<16x128xi32, #tpu.memory_space<hbm>>
      %dma_start3A_233 = arith.constant 0 : i32
      %dma_start3A_234 = tpu.memref_slice %arg3[%arg0, %add3A_125, %dma_start3A_233] : memref<2x1296x128xi32, #tpu.memory_space<hbm>> -> memref<1x16x128xi32, #tpu.memory_space<hbm>>
      %dma_start3A_235 = tpu.memref_squeeze %dma_start3A_234 : memref<1x16x128xi32, #tpu.memory_space<hbm>> -> memref<16x128xi32, #tpu.memory_space<hbm>>
      tpu.enqueue_dma source(%dma_start3A_235 : memref<16x128xi32, #tpu.memory_space<hbm>>) target(%arg6 : memref<16x128xi32, #tpu.memory_space<vmem>>) target_semaphore(%run_scoped3A : memref<!tpu.dma_semaphore, #tpu.memory_space<semaphore_mem>>)
      %dma_wait3A_236 = arith.constant 0 : i32
      %dma_wait3A_237 = tpu.memref_slice %arg3[%arg0, %add3A_125, %dma_wait3A_236] : memref<2x1296x128xi32, #tpu.memory_space<hbm>> -> memref<1x16x128xi32, #tpu.memory_space<hbm>>
      %dma_wait3A_238 = tpu.memref_squeeze %dma_wait3A_237 : memref<1x16x128xi32, #tpu.memory_space<hbm>> -> memref<16x128xi32, #tpu.memory_space<hbm>>
      %dma_wait3A_239 = arith.constant 0 : i32
      %dma_wait3A_240 = tpu.memref_slice %arg3[%arg0, %add3A_125, %dma_wait3A_239] : memref<2x1296x128xi32, #tpu.memory_space<hbm>> -> memref<1x16x128xi32, #tpu.memory_space<hbm>>
      %dma_wait3A_241 = tpu.memref_squeeze %dma_wait3A_240 : memref<1x16x128xi32, #tpu.memory_space<hbm>> -> memref<16x128xi32, #tpu.memory_space<hbm>>
      tpu.wait_dma2 semaphore(%run_scoped3A : memref<!tpu.dma_semaphore, #tpu.memory_space<semaphore_mem>>) src(%dma_wait3A_241 : memref<16x128xi32, #tpu.memory_space<hbm>>) dst(%arg6 : memref<16x128xi32, #tpu.memory_space<vmem>>)
      tpu.yield
    }) : () -> ()
    %add3A_126 = arith.constant 0 : i32
    %add3A_127 = arith.addi %mul3A_123, %add3A_126 : i32
    "tpu.region"() ({
      %run_scoped3A = tpu.sem_alloc : memref<!tpu.dma_semaphore, #tpu.memory_space<semaphore_mem>>
      %dma_start3A_230 = arith.constant 0 : i32
      %dma_start3A_231 = tpu.memref_slice %arg4[%add3A_127, %dma_start3A_230] : memref<1296x128xi32, #tpu.memory_space<hbm>> -> memref<16x128xi32, #tpu.memory_space<hbm>>
      %dma_start3A_232 = arith.constant 0 : i32
      %dma_start3A_233 = tpu.memref_slice %arg4[%add3A_127, %dma_start3A_232] : memref<1296x128xi32, #tpu.memory_space<hbm>> -> memref<16x128xi32, #tpu.memory_space<hbm>>
      tpu.enqueue_dma source(%dma_start3A_233 : memref<16x128xi32, #tpu.memory_space<hbm>>) target(%arg7 : memref<16x128xi32, #tpu.memory_space<vmem>>) target_semaphore(%run_scoped3A : memref<!tpu.dma_semaphore, #tpu.memory_space<semaphore_mem>>)
      %dma_wait3A_234 = arith.constant 0 : i32
      %dma_wait3A_235 = tpu.memref_slice %arg4[%add3A_127, %dma_wait3A_234] : memref<1296x128xi32, #tpu.memory_space<hbm>> -> memref<16x128xi32, #tpu.memory_space<hbm>>
      %dma_wait3A_236 = arith.constant 0 : i32
      %dma_wait3A_237 = tpu.memref_slice %arg4[%add3A_127, %dma_wait3A_236] : memref<1296x128xi32, #tpu.memory_space<hbm>> -> memref<16x128xi32, #tpu.memory_space<hbm>>
      tpu.wait_dma2 semaphore(%run_scoped3A : memref<!tpu.dma_semaphore, #tpu.memory_space<semaphore_mem>>) src(%dma_wait3A_237 : memref<16x128xi32, #tpu.memory_space<hbm>>) dst(%arg7 : memref<16x128xi32, #tpu.memory_space<vmem>>)
      tpu.yield
    }) : () -> ()
    %dma_start3A_128 = arith.constant 0 : i32
    %dma_start3A_129 = arith.constant 0 : i32
    %dma_start3A_130 = tpu.memref_slice %arg6[%dma_start3A_128, %dma_start3A_129] : memref<16x128xi32, #tpu.memory_space<vmem>> -> memref<1x128xi32, #tpu.memory_space<vmem>>
    %dma_start3A_131 = tpu.memref_squeeze %dma_start3A_130 : memref<1x128xi32, #tpu.memory_space<vmem>> -> memref<128xi32, #tpu.memory_space<vmem>>
    %dma_start3A_132 = arith.constant 0 : i32
    %dma_start3A_133 = arith.constant 0 : i32
    %dma_start3A_134 = tpu.memref_slice %arg2[%dma_start3A_132, %dma_start3A_133] : memref<20000x128xf32, #tpu.memory_space<hbm>> -> memref<20000x128xf32, #tpu.memory_space<hbm>>
    tpu.enqueue_indirect_dma source(%dma_start3A_134 : memref<20000x128xf32, #tpu.memory_space<hbm>>) target(%arg8 : memref<128x128xf32, #tpu.memory_space<vmem>>) offsets(%dma_start3A_131 : memref<128xi32, #tpu.memory_space<vmem>>) semaphore(%arg11 : memref<!tpu.dma_semaphore, #tpu.memory_space<semaphore_mem>>)
    %scan3A_135 = arith.constant 0 : i32
    %scan3A_136 = arith.constant 0 : i32
    %scan3A_137 = arith.constant 5 : i32
    %scan3A_138 = arith.addi %scan3A_136, %scan3A_137 : i32
    %scan3A_139 = arith.constant 1 : i32
    %scan3A_140 = scf.for %scan3A_230 = %scan3A_136 to %scan3A_138 step %scan3A_139 iter_args(%scan3A_231 = %scan3A_135) -> (i32)  : i32 {
      %dma_wait3A_232 = arith.constant 0 : i32
      %dma_wait3A_233 = arith.constant 0 : i32
      %dma_wait3A_234 = tpu.memref_slice %arg6[%dma_wait3A_232, %dma_wait3A_233] : memref<16x128xi32, #tpu.memory_space<vmem>> -> memref<1x128xi32, #tpu.memory_space<vmem>>
      %dma_wait3A_235 = tpu.memref_squeeze %dma_wait3A_234 : memref<1x128xi32, #tpu.memory_space<vmem>> -> memref<128xi32, #tpu.memory_space<vmem>>
      %dma_wait3A_236 = arith.constant 0 : i32
      %dma_wait3A_237 = arith.constant 0 : i32
      %dma_wait3A_238 = tpu.memref_slice %arg2[%dma_wait3A_236, %dma_wait3A_237] : memref<20000x128xf32, #tpu.memory_space<hbm>> -> memref<20000x128xf32, #tpu.memory_space<hbm>>
      tpu.wait_indirect_dma semaphore(%arg11 : memref<!tpu.dma_semaphore, #tpu.memory_space<semaphore_mem>>) src(%dma_wait3A_238 : memref<20000x128xf32, #tpu.memory_space<hbm>>) dst(%arg8 : memref<128x128xf32, #tpu.memory_space<vmem>>)
      %dma_start3A_239 = arith.constant 1 : i32
      %dma_start3A_240 = arith.constant 0 : i32
      %dma_start3A_241 = tpu.memref_slice %arg6[%dma_start3A_239, %dma_start3A_240] : memref<16x128xi32, #tpu.memory_space<vmem>> -> memref<1x128xi32, #tpu.memory_space<vmem>>
      %dma_start3A_242 = tpu.memref_squeeze %dma_start3A_241 : memref<1x128xi32, #tpu.memory_space<vmem>> -> memref<128xi32, #tpu.memory_space<vmem>>
      %dma_start3A_243 = arith.constant 0 : i32
      %dma_start3A_244 = arith.constant 0 : i32
      %dma_start3A_245 = tpu.memref_slice %arg2[%dma_start3A_243, %dma_start3A_244] : memref<20000x128xf32, #tpu.memory_space<hbm>> -> memref<20000x128xf32, #tpu.memory_space<hbm>>
      tpu.enqueue_indirect_dma source(%dma_start3A_245 : memref<20000x128xf32, #tpu.memory_space<hbm>>) target(%arg9 : memref<128x128xf32, #tpu.memory_space<vmem>>) offsets(%dma_start3A_242 : memref<128xi32, #tpu.memory_space<vmem>>) semaphore(%arg11 : memref<!tpu.dma_semaphore, #tpu.memory_space<semaphore_mem>>)
      %run_scoped3A = arith.constant 0 : i32
      "tpu.region"() ({
        %run_scoped3A_480 = tpu.sem_alloc : memref<!tpu.dma_semaphore, #tpu.memory_space<semaphore_mem>>
        %dma_start3A_481 = arith.constant 0 : i32
        %dma_start3A_482 = tpu.memref_slice %arg7[%run_scoped3A, %dma_start3A_481] : memref<16x128xi32, #tpu.memory_space<vmem>> -> memref<1x128xi32, #tpu.memory_space<vmem>>
        %dma_start3A_483 = tpu.memref_squeeze %dma_start3A_482 : memref<1x128xi32, #tpu.memory_space<vmem>> -> memref<128xi32, #tpu.memory_space<vmem>>
        %dma_start3A_484 = arith.constant 0 : i32
        %dma_start3A_485 = arith.constant 0 : i32
        %dma_start3A_486 = tpu.memref_slice %arg10[%dma_start3A_484, %dma_start3A_485] : memref<10240x128xf32, #tpu.memory_space<vmem_shared>> -> memref<10240x128xf32, #tpu.memory_space<vmem_shared>>
        tpu.enqueue_indirect_dma source(%arg8 : memref<128x128xf32, #tpu.memory_space<vmem>>) target(%dma_start3A_486 : memref<10240x128xf32, #tpu.memory_space<vmem_shared>>) offsets(%dma_start3A_483 : memref<128xi32, #tpu.memory_space<vmem>>) semaphore(%run_scoped3A_480 : memref<!tpu.dma_semaphore, #tpu.memory_space<semaphore_mem>>) {add = true}
        %dma_wait3A_487 = arith.constant 0 : i32
        %dma_wait3A_488 = tpu.memref_slice %arg7[%run_scoped3A, %dma_wait3A_487] : memref<16x128xi32, #tpu.memory_space<vmem>> -> memref<1x128xi32, #tpu.memory_space<vmem>>
        %dma_wait3A_489 = tpu.memref_squeeze %dma_wait3A_488 : memref<1x128xi32, #tpu.memory_space<vmem>> -> memref<128xi32, #tpu.memory_space<vmem>>
        %dma_wait3A_490 = arith.constant 0 : i32
        %dma_wait3A_491 = arith.constant 0 : i32
        %dma_wait3A_492 = tpu.memref_slice %arg10[%dma_wait3A_490, %dma_wait3A_491] : memref<10240x128xf32, #tpu.memory_space<vmem_shared>> -> memref<10240x128xf32, #tpu.memory_space<vmem_shared>>
        tpu.wait_indirect_dma semaphore(%run_scoped3A_480 : memref<!tpu.dma_semaphore, #tpu.memory_space<semaphore_mem>>) src(%arg8 : memref<128x128xf32, #tpu.memory_space<vmem>>) dst(%dma_wait3A_492 : memref<10240x128xf32, #tpu.memory_space<vmem_shared>>)
        tpu.yield
      }) : () -> ()
      %dma_wait3A_246 = arith.constant 0 : i32
      %dma_wait3A_247 = arith.constant 0 : i32
      %dma_wait3A_248 = tpu.memref_slice %arg6[%dma_wait3A_246, %dma_wait3A_247] : memref<16x128xi32, #tpu.memory_space<vmem>> -> memref<1x128xi32, #tpu.memory_space<vmem>>
      %dma_wait3A_249 = tpu.memref_squeeze %dma_wait3A_248 : memref<1x128xi32, #tpu.memory_space<vmem>> -> memref<128xi32, #tpu.memory_space<vmem>>
      %dma_wait3A_250 = arith.constant 0 : i32
      %dma_wait3A_251 = arith.constant 0 : i32
      %dma_wait3A_252 = tpu.memref_slice %arg2[%dma_wait3A_250, %dma_wait3A_251] : memref<20000x128xf32, #tpu.memory_space<hbm>> -> memref<20000x128xf32, #tpu.memory_space<hbm>>
      tpu.wait_indirect_dma semaphore(%arg11 : memref<!tpu.dma_semaphore, #tpu.memory_space<semaphore_mem>>) src(%dma_wait3A_252 : memref<20000x128xf32, #tpu.memory_space<hbm>>) dst(%arg9 : memref<128x128xf32, #tpu.memory_space<vmem>>)
      %dma_start3A_253 = arith.constant 2 : i32
      %dma_start3A_254 = arith.constant 0 : i32
      %dma_start3A_255 = tpu.memref_slice %arg6[%dma_start3A_253, %dma_start3A_254] : memref<16x128xi32, #tpu.memory_space<vmem>> -> memref<1x128xi32, #tpu.memory_space<vmem>>
      %dma_start3A_256 = tpu.memref_squeeze %dma_start3A_255 : memref<1x128xi32, #tpu.memory_space<vmem>> -> memref<128xi32, #tpu.memory_space<vmem>>
      %dma_start3A_257 = arith.constant 0 : i32
      %dma_start3A_258 = arith.constant 0 : i32
      %dma_start3A_259 = tpu.memref_slice %arg2[%dma_start3A_257, %dma_start3A_258] : memref<20000x128xf32, #tpu.memory_space<hbm>> -> memref<20000x128xf32, #tpu.memory_space<hbm>>
      tpu.enqueue_indirect_dma source(%dma_start3A_259 : memref<20000x128xf32, #tpu.memory_space<hbm>>) target(%arg8 : memref<128x128xf32, #tpu.memory_space<vmem>>) offsets(%dma_start3A_256 : memref<128xi32, #tpu.memory_space<vmem>>) semaphore(%arg11 : memref<!tpu.dma_semaphore, #tpu.memory_space<semaphore_mem>>)
      %run_scoped3A_260 = arith.constant 1 : i32
      "tpu.region"() ({
        %run_scoped3A_480 = tpu.sem_alloc : memref<!tpu.dma_semaphore, #tpu.memory_space<semaphore_mem>>
        %dma_start3A_481 = arith.constant 0 : i32
        %dma_start3A_482 = tpu.memref_slice %arg7[%run_scoped3A_260, %dma_start3A_481] : memref<16x128xi32, #tpu.memory_space<vmem>> -> memref<1x128xi32, #tpu.memory_space<vmem>>
        %dma_start3A_483 = tpu.memref_squeeze %dma_start3A_482 : memref<1x128xi32, #tpu.memory_space<vmem>> -> memref<128xi32, #tpu.memory_space<vmem>>
        %dma_start3A_484 = arith.constant 0 : i32
        %dma_start3A_485 = arith.constant 0 : i32
        %dma_start3A_486 = tpu.memref_slice %arg10[%dma_start3A_484, %dma_start3A_485] : memref<10240x128xf32, #tpu.memory_space<vmem_shared>> -> memref<10240x128xf32, #tpu.memory_space<vmem_shared>>
        tpu.enqueue_indirect_dma source(%arg9 : memref<128x128xf32, #tpu.memory_space<vmem>>) target(%dma_start3A_486 : memref<10240x128xf32, #tpu.memory_space<vmem_shared>>) offsets(%dma_start3A_483 : memref<128xi32, #tpu.memory_space<vmem>>) semaphore(%run_scoped3A_480 : memref<!tpu.dma_semaphore, #tpu.memory_space<semaphore_mem>>) {add = true}
        %dma_wait3A_487 = arith.constant 0 : i32
        %dma_wait3A_488 = tpu.memref_slice %arg7[%run_scoped3A_260, %dma_wait3A_487] : memref<16x128xi32, #tpu.memory_space<vmem>> -> memref<1x128xi32, #tpu.memory_space<vmem>>
        %dma_wait3A_489 = tpu.memref_squeeze %dma_wait3A_488 : memref<1x128xi32, #tpu.memory_space<vmem>> -> memref<128xi32, #tpu.memory_space<vmem>>
        %dma_wait3A_490 = arith.constant 0 : i32
        %dma_wait3A_491 = arith.constant 0 : i32
        %dma_wait3A_492 = tpu.memref_slice %arg10[%dma_wait3A_490, %dma_wait3A_491] : memref<10240x128xf32, #tpu.memory_space<vmem_shared>> -> memref<10240x128xf32, #tpu.memory_space<vmem_shared>>
        tpu.wait_indirect_dma semaphore(%run_scoped3A_480 : memref<!tpu.dma_semaphore, #tpu.memory_space<semaphore_mem>>) src(%arg9 : memref<128x128xf32, #tpu.memory_space<vmem>>) dst(%dma_wait3A_492 : memref<10240x128xf32, #tpu.memory_space<vmem_shared>>)
        tpu.yield
      }) : () -> ()
      %dma_wait3A_261 = arith.constant 0 : i32
      %dma_wait3A_262 = arith.constant 0 : i32
      %dma_wait3A_263 = tpu.memref_slice %arg6[%dma_wait3A_261, %dma_wait3A_262] : memref<16x128xi32, #tpu.memory_space<vmem>> -> memref<1x128xi32, #tpu.memory_space<vmem>>
      %dma_wait3A_264 = tpu.memref_squeeze %dma_wait3A_263 : memref<1x128xi32, #tpu.memory_space<vmem>> -> memref<128xi32, #tpu.memory_space<vmem>>
      %dma_wait3A_265 = arith.constant 0 : i32
      %dma_wait3A_266 = arith.constant 0 : i32
      %dma_wait3A_267 = tpu.memref_slice %arg2[%dma_wait3A_265, %dma_wait3A_266] : memref<20000x128xf32, #tpu.memory_space<hbm>> -> memref<20000x128xf32, #tpu.memory_space<hbm>>
      tpu.wait_indirect_dma semaphore(%arg11 : memref<!tpu.dma_semaphore, #tpu.memory_space<semaphore_mem>>) src(%dma_wait3A_267 : memref<20000x128xf32, #tpu.memory_space<hbm>>) dst(%arg8 : memref<128x128xf32, #tpu.memory_space<vmem>>)
      %dma_start3A_268 = arith.constant 3 : i32
      %dma_start3A_269 = arith.constant 0 : i32
      %dma_start3A_270 = tpu.memref_slice %arg6[%dma_start3A_268, %dma_start3A_269] : memref<16x128xi32, #tpu.memory_space<vmem>> -> memref<1x128xi32, #tpu.memory_space<vmem>>
      %dma_start3A_271 = tpu.memref_squeeze %dma_start3A_270 : memref<1x128xi32, #tpu.memory_space<vmem>> -> memref<128xi32, #tpu.memory_space<vmem>>
      %dma_start3A_272 = arith.constant 0 : i32
      %dma_start3A_273 = arith.constant 0 : i32
      %dma_start3A_274 = tpu.memref_slice %arg2[%dma_start3A_272, %dma_start3A_273] : memref<20000x128xf32, #tpu.memory_space<hbm>> -> memref<20000x128xf32, #tpu.memory_space<hbm>>
      tpu.enqueue_indirect_dma source(%dma_start3A_274 : memref<20000x128xf32, #tpu.memory_space<hbm>>) target(%arg9 : memref<128x128xf32, #tpu.memory_space<vmem>>) offsets(%dma_start3A_271 : memref<128xi32, #tpu.memory_space<vmem>>) semaphore(%arg11 : memref<!tpu.dma_semaphore, #tpu.memory_space<semaphore_mem>>)
      %run_scoped3A_275 = arith.constant 2 : i32
      "tpu.region"() ({
        %run_scoped3A_480 = tpu.sem_alloc : memref<!tpu.dma_semaphore, #tpu.memory_space<semaphore_mem>>
        %dma_start3A_481 = arith.constant 0 : i32
        %dma_start3A_482 = tpu.memref_slice %arg7[%run_scoped3A_275, %dma_start3A_481] : memref<16x128xi32, #tpu.memory_space<vmem>> -> memref<1x128xi32, #tpu.memory_space<vmem>>
        %dma_start3A_483 = tpu.memref_squeeze %dma_start3A_482 : memref<1x128xi32, #tpu.memory_space<vmem>> -> memref<128xi32, #tpu.memory_space<vmem>>
        %dma_start3A_484 = arith.constant 0 : i32
        %dma_start3A_485 = arith.constant 0 : i32
        %dma_start3A_486 = tpu.memref_slice %arg10[%dma_start3A_484, %dma_start3A_485] : memref<10240x128xf32, #tpu.memory_space<vmem_shared>> -> memref<10240x128xf32, #tpu.memory_space<vmem_shared>>
        tpu.enqueue_indirect_dma source(%arg8 : memref<128x128xf32, #tpu.memory_space<vmem>>) target(%dma_start3A_486 : memref<10240x128xf32, #tpu.memory_space<vmem_shared>>) offsets(%dma_start3A_483 : memref<128xi32, #tpu.memory_space<vmem>>) semaphore(%run_scoped3A_480 : memref<!tpu.dma_semaphore, #tpu.memory_space<semaphore_mem>>) {add = true}
        %dma_wait3A_487 = arith.constant 0 : i32
        %dma_wait3A_488 = tpu.memref_slice %arg7[%run_scoped3A_275, %dma_wait3A_487] : memref<16x128xi32, #tpu.memory_space<vmem>> -> memref<1x128xi32, #tpu.memory_space<vmem>>
        %dma_wait3A_489 = tpu.memref_squeeze %dma_wait3A_488 : memref<1x128xi32, #tpu.memory_space<vmem>> -> memref<128xi32, #tpu.memory_space<vmem>>
        %dma_wait3A_490 = arith.constant 0 : i32
        %dma_wait3A_491 = arith.constant 0 : i32
        %dma_wait3A_492 = tpu.memref_slice %arg10[%dma_wait3A_490, %dma_wait3A_491] : memref<10240x128xf32, #tpu.memory_space<vmem_shared>> -> memref<10240x128xf32, #tpu.memory_space<vmem_shared>>
        tpu.wait_indirect_dma semaphore(%run_scoped3A_480 : memref<!tpu.dma_semaphore, #tpu.memory_space<semaphore_mem>>) src(%arg8 : memref<128x128xf32, #tpu.memory_space<vmem>>) dst(%dma_wait3A_492 : memref<10240x128xf32, #tpu.memory_space<vmem_shared>>)
        tpu.yield
      }) : () -> ()
      %dma_wait3A_276 = arith.constant 0 : i32
      %dma_wait3A_277 = arith.constant 0 : i32
      %dma_wait3A_278 = tpu.memref_slice %arg6[%dma_wait3A_276, %dma_wait3A_277] : memref<16x128xi32, #tpu.memory_space<vmem>> -> memref<1x128xi32, #tpu.memory_space<vmem>>
      %dma_wait3A_279 = tpu.memref_squeeze %dma_wait3A_278 : memref<1x128xi32, #tpu.memory_space<vmem>> -> memref<128xi32, #tpu.memory_space<vmem>>
      %dma_wait3A_280 = arith.constant 0 : i32
      %dma_wait3A_281 = arith.constant 0 : i32
      %dma_wait3A_282 = tpu.memref_slice %arg2[%dma_wait3A_280, %dma_wait3A_281] : memref<20000x128xf32, #tpu.memory_space<hbm>> -> memref<20000x128xf32, #tpu.memory_space<hbm>>
      tpu.wait_indirect_dma semaphore(%arg11 : memref<!tpu.dma_semaphore, #tpu.memory_space<semaphore_mem>>) src(%dma_wait3A_282 : memref<20000x128xf32, #tpu.memory_space<hbm>>) dst(%arg9 : memref<128x128xf32, #tpu.memory_space<vmem>>)
      %dma_start3A_283 = arith.constant 4 : i32
      %dma_start3A_284 = arith.constant 0 : i32
      %dma_start3A_285 = tpu.memref_slice %arg6[%dma_start3A_283, %dma_start3A_284] : memref<16x128xi32, #tpu.memory_space<vmem>> -> memref<1x128xi32, #tpu.memory_space<vmem>>
      %dma_start3A_286 = tpu.memref_squeeze %dma_start3A_285 : memref<1x128xi32, #tpu.memory_space<vmem>> -> memref<128xi32, #tpu.memory_space<vmem>>
      %dma_start3A_287 = arith.constant 0 : i32
      %dma_start3A_288 = arith.constant 0 : i32
      %dma_start3A_289 = tpu.memref_slice %arg2[%dma_start3A_287, %dma_start3A_288] : memref<20000x128xf32, #tpu.memory_space<hbm>> -> memref<20000x128xf32, #tpu.memory_space<hbm>>
      tpu.enqueue_indirect_dma source(%dma_start3A_289 : memref<20000x128xf32, #tpu.memory_space<hbm>>) target(%arg8 : memref<128x128xf32, #tpu.memory_space<vmem>>) offsets(%dma_start3A_286 : memref<128xi32, #tpu.memory_space<vmem>>) semaphore(%arg11 : memref<!tpu.dma_semaphore, #tpu.memory_space<semaphore_mem>>)
      %run_scoped3A_290 = arith.constant 3 : i32
      "tpu.region"() ({
        %run_scoped3A_480 = tpu.sem_alloc : memref<!tpu.dma_semaphore, #tpu.memory_space<semaphore_mem>>
        %dma_start3A_481 = arith.constant 0 : i32
        %dma_start3A_482 = tpu.memref_slice %arg7[%run_scoped3A_290, %dma_start3A_481] : memref<16x128xi32, #tpu.memory_space<vmem>> -> memref<1x128xi32, #tpu.memory_space<vmem>>
        %dma_start3A_483 = tpu.memref_squeeze %dma_start3A_482 : memref<1x128xi32, #tpu.memory_space<vmem>> -> memref<128xi32, #tpu.memory_space<vmem>>
        %dma_start3A_484 = arith.constant 0 : i32
        %dma_start3A_485 = arith.constant 0 : i32
        %dma_start3A_486 = tpu.memref_slice %arg10[%dma_start3A_484, %dma_start3A_485] : memref<10240x128xf32, #tpu.memory_space<vmem_shared>> -> memref<10240x128xf32, #tpu.memory_space<vmem_shared>>
        tpu.enqueue_indirect_dma source(%arg9 : memref<128x128xf32, #tpu.memory_space<vmem>>) target(%dma_start3A_486 : memref<10240x128xf32, #tpu.memory_space<vmem_shared>>) offsets(%dma_start3A_483 : memref<128xi32, #tpu.memory_space<vmem>>) semaphore(%run_scoped3A_480 : memref<!tpu.dma_semaphore, #tpu.memory_space<semaphore_mem>>) {add = true}
        %dma_wait3A_487 = arith.constant 0 : i32
        %dma_wait3A_488 = tpu.memref_slice %arg7[%run_scoped3A_290, %dma_wait3A_487] : memref<16x128xi32, #tpu.memory_space<vmem>> -> memref<1x128xi32, #tpu.memory_space<vmem>>
        %dma_wait3A_489 = tpu.memref_squeeze %dma_wait3A_488 : memref<1x128xi32, #tpu.memory_space<vmem>> -> memref<128xi32, #tpu.memory_space<vmem>>
        %dma_wait3A_490 = arith.constant 0 : i32
        %dma_wait3A_491 = arith.constant 0 : i32
        %dma_wait3A_492 = tpu.memref_slice %arg10[%dma_wait3A_490, %dma_wait3A_491] : memref<10240x128xf32, #tpu.memory_space<vmem_shared>> -> memref<10240x128xf32, #tpu.memory_space<vmem_shared>>
        tpu.wait_indirect_dma semaphore(%run_scoped3A_480 : memref<!tpu.dma_semaphore, #tpu.memory_space<semaphore_mem>>) src(%arg9 : memref<128x128xf32, #tpu.memory_space<vmem>>) dst(%dma_wait3A_492 : memref<10240x128xf32, #tpu.memory_space<vmem_shared>>)
        tpu.yield
      }) : () -> ()
      %dma_wait3A_291 = arith.constant 0 : i32
      %dma_wait3A_292 = arith.constant 0 : i32
      %dma_wait3A_293 = tpu.memref_slice %arg6[%dma_wait3A_291, %dma_wait3A_292] : memref<16x128xi32, #tpu.memory_space<vmem>> -> memref<1x128xi32, #tpu.memory_space<vmem>>
      %dma_wait3A_294 = tpu.memref_squeeze %dma_wait3A_293 : memref<1x128xi32, #tpu.memory_space<vmem>> -> memref<128xi32, #tpu.memory_space<vmem>>
      %dma_wait3A_295 = arith.constant 0 : i32
      %dma_wait3A_296 = arith.constant 0 : i32
      %dma_wait3A_297 = tpu.memref_slice %arg2[%dma_wait3A_295, %dma_wait3A_296] : memref<20000x128xf32, #tpu.memory_space<hbm>> -> memref<20000x128xf32, #tpu.memory_space<hbm>>
      tpu.wait_indirect_dma semaphore(%arg11 : memref<!tpu.dma_semaphore, #tpu.memory_space<semaphore_mem>>) src(%dma_wait3A_297 : memref<20000x128xf32, #tpu.memory_space<hbm>>) dst(%arg8 : memref<128x128xf32, #tpu.memory_space<vmem>>)
      %dma_start3A_298 = arith.constant 5 : i32
      %dma_start3A_299 = arith.constant 0 : i32
      %dma_start3A_300 = tpu.memref_slice %arg6[%dma_start3A_298, %dma_start3A_299] : memref<16x128xi32, #tpu.memory_space<vmem>> -> memref<1x128xi32, #tpu.memory_space<vmem>>
      %dma_start3A_301 = tpu.memref_squeeze %dma_start3A_300 : memref<1x128xi32, #tpu.memory_space<vmem>> -> memref<128xi32, #tpu.memory_space<vmem>>
      %dma_start3A_302 = arith.constant 0 : i32
      %dma_start3A_303 = arith.constant 0 : i32
      %dma_start3A_304 = tpu.memref_slice %arg2[%dma_start3A_302, %dma_start3A_303] : memref<20000x128xf32, #tpu.memory_space<hbm>> -> memref<20000x128xf32, #tpu.memory_space<hbm>>
      tpu.enqueue_indirect_dma source(%dma_start3A_304 : memref<20000x128xf32, #tpu.memory_space<hbm>>) target(%arg9 : memref<128x128xf32, #tpu.memory_space<vmem>>) offsets(%dma_start3A_301 : memref<128xi32, #tpu.memory_space<vmem>>) semaphore(%arg11 : memref<!tpu.dma_semaphore, #tpu.memory_space<semaphore_mem>>)
      %run_scoped3A_305 = arith.constant 4 : i32
      "tpu.region"() ({
        %run_scoped3A_480 = tpu.sem_alloc : memref<!tpu.dma_semaphore, #tpu.memory_space<semaphore_mem>>
        %dma_start3A_481 = arith.constant 0 : i32
        %dma_start3A_482 = tpu.memref_slice %arg7[%run_scoped3A_305, %dma_start3A_481] : memref<16x128xi32, #tpu.memory_space<vmem>> -> memref<1x128xi32, #tpu.memory_space<vmem>>
        %dma_start3A_483 = tpu.memref_squeeze %dma_start3A_482 : memref<1x128xi32, #tpu.memory_space<vmem>> -> memref<128xi32, #tpu.memory_space<vmem>>
        %dma_start3A_484 = arith.constant 0 : i32
        %dma_start3A_485 = arith.constant 0 : i32
        %dma_start3A_486 = tpu.memref_slice %arg10[%dma_start3A_484, %dma_start3A_485] : memref<10240x128xf32, #tpu.memory_space<vmem_shared>> -> memref<10240x128xf32, #tpu.memory_space<vmem_shared>>
        tpu.enqueue_indirect_dma source(%arg8 : memref<128x128xf32, #tpu.memory_space<vmem>>) target(%dma_start3A_486 : memref<10240x128xf32, #tpu.memory_space<vmem_shared>>) offsets(%dma_start3A_483 : memref<128xi32, #tpu.memory_space<vmem>>) semaphore(%run_scoped3A_480 : memref<!tpu.dma_semaphore, #tpu.memory_space<semaphore_mem>>) {add = true}
        %dma_wait3A_487 = arith.constant 0 : i32
        %dma_wait3A_488 = tpu.memref_slice %arg7[%run_scoped3A_305, %dma_wait3A_487] : memref<16x128xi32, #tpu.memory_space<vmem>> -> memref<1x128xi32, #tpu.memory_space<vmem>>
        %dma_wait3A_489 = tpu.memref_squeeze %dma_wait3A_488 : memref<1x128xi32, #tpu.memory_space<vmem>> -> memref<128xi32, #tpu.memory_space<vmem>>
        %dma_wait3A_490 = arith.constant 0 : i32
        %dma_wait3A_491 = arith.constant 0 : i32
        %dma_wait3A_492 = tpu.memref_slice %arg10[%dma_wait3A_490, %dma_wait3A_491] : memref<10240x128xf32, #tpu.memory_space<vmem_shared>> -> memref<10240x128xf32, #tpu.memory_space<vmem_shared>>
        tpu.wait_indirect_dma semaphore(%run_scoped3A_480 : memref<!tpu.dma_semaphore, #tpu.memory_space<semaphore_mem>>) src(%arg8 : memref<128x128xf32, #tpu.memory_space<vmem>>) dst(%dma_wait3A_492 : memref<10240x128xf32, #tpu.memory_space<vmem_shared>>)
        tpu.yield
      }) : () -> ()
      %dma_wait3A_306 = arith.constant 0 : i32
      %dma_wait3A_307 = arith.constant 0 : i32
      %dma_wait3A_308 = tpu.memref_slice %arg6[%dma_wait3A_306, %dma_wait3A_307] : memref<16x128xi32, #tpu.memory_space<vmem>> -> memref<1x128xi32, #tpu.memory_space<vmem>>
      %dma_wait3A_309 = tpu.memref_squeeze %dma_wait3A_308 : memref<1x128xi32, #tpu.memory_space<vmem>> -> memref<128xi32, #tpu.memory_space<vmem>>
      %dma_wait3A_310 = arith.constant 0 : i32
      %dma_wait3A_311 = arith.constant 0 : i32
      %dma_wait3A_312 = tpu.memref_slice %arg2[%dma_wait3A_310, %dma_wait3A_311] : memref<20000x128xf32, #tpu.memory_space<hbm>> -> memref<20000x128xf32, #tpu.memory_space<hbm>>
      tpu.wait_indirect_dma semaphore(%arg11 : memref<!tpu.dma_semaphore, #tpu.memory_space<semaphore_mem>>) src(%dma_wait3A_312 : memref<20000x128xf32, #tpu.memory_space<hbm>>) dst(%arg9 : memref<128x128xf32, #tpu.memory_space<vmem>>)
      %dma_start3A_313 = arith.constant 6 : i32
      %dma_start3A_314 = arith.constant 0 : i32
      %dma_start3A_315 = tpu.memref_slice %arg6[%dma_start3A_313, %dma_start3A_314] : memref<16x128xi32, #tpu.memory_space<vmem>> -> memref<1x128xi32, #tpu.memory_space<vmem>>
      %dma_start3A_316 = tpu.memref_squeeze %dma_start3A_315 : memref<1x128xi32, #tpu.memory_space<vmem>> -> memref<128xi32, #tpu.memory_space<vmem>>
      %dma_start3A_317 = arith.constant 0 : i32
      %dma_start3A_318 = arith.constant 0 : i32
      %dma_start3A_319 = tpu.memref_slice %arg2[%dma_start3A_317, %dma_start3A_318] : memref<20000x128xf32, #tpu.memory_space<hbm>> -> memref<20000x128xf32, #tpu.memory_space<hbm>>
      tpu.enqueue_indirect_dma source(%dma_start3A_319 : memref<20000x128xf32, #tpu.memory_space<hbm>>) target(%arg8 : memref<128x128xf32, #tpu.memory_space<vmem>>) offsets(%dma_start3A_316 : memref<128xi32, #tpu.memory_space<vmem>>) semaphore(%arg11 : memref<!tpu.dma_semaphore, #tpu.memory_space<semaphore_mem>>)
      %run_scoped3A_320 = arith.constant 5 : i32
      "tpu.region"() ({
        %run_scoped3A_480 = tpu.sem_alloc : memref<!tpu.dma_semaphore, #tpu.memory_space<semaphore_mem>>
        %dma_start3A_481 = arith.constant 0 : i32
        %dma_start3A_482 = tpu.memref_slice %arg7[%run_scoped3A_320, %dma_start3A_481] : memref<16x128xi32, #tpu.memory_space<vmem>> -> memref<1x128xi32, #tpu.memory_space<vmem>>
        %dma_start3A_483 = tpu.memref_squeeze %dma_start3A_482 : memref<1x128xi32, #tpu.memory_space<vmem>> -> memref<128xi32, #tpu.memory_space<vmem>>
        %dma_start3A_484 = arith.constant 0 : i32
        %dma_start3A_485 = arith.constant 0 : i32
        %dma_start3A_486 = tpu.memref_slice %arg10[%dma_start3A_484, %dma_start3A_485] : memref<10240x128xf32, #tpu.memory_space<vmem_shared>> -> memref<10240x128xf32, #tpu.memory_space<vmem_shared>>
        tpu.enqueue_indirect_dma source(%arg9 : memref<128x128xf32, #tpu.memory_space<vmem>>) target(%dma_start3A_486 : memref<10240x128xf32, #tpu.memory_space<vmem_shared>>) offsets(%dma_start3A_483 : memref<128xi32, #tpu.memory_space<vmem>>) semaphore(%run_scoped3A_480 : memref<!tpu.dma_semaphore, #tpu.memory_space<semaphore_mem>>) {add = true}
        %dma_wait3A_487 = arith.constant 0 : i32
        %dma_wait3A_488 = tpu.memref_slice %arg7[%run_scoped3A_320, %dma_wait3A_487] : memref<16x128xi32, #tpu.memory_space<vmem>> -> memref<1x128xi32, #tpu.memory_space<vmem>>
        %dma_wait3A_489 = tpu.memref_squeeze %dma_wait3A_488 : memref<1x128xi32, #tpu.memory_space<vmem>> -> memref<128xi32, #tpu.memory_space<vmem>>
        %dma_wait3A_490 = arith.constant 0 : i32
        %dma_wait3A_491 = arith.constant 0 : i32
        %dma_wait3A_492 = tpu.memref_slice %arg10[%dma_wait3A_490, %dma_wait3A_491] : memref<10240x128xf32, #tpu.memory_space<vmem_shared>> -> memref<10240x128xf32, #tpu.memory_space<vmem_shared>>
        tpu.wait_indirect_dma semaphore(%run_scoped3A_480 : memref<!tpu.dma_semaphore, #tpu.memory_space<semaphore_mem>>) src(%arg9 : memref<128x128xf32, #tpu.memory_space<vmem>>) dst(%dma_wait3A_492 : memref<10240x128xf32, #tpu.memory_space<vmem_shared>>)
        tpu.yield
      }) : () -> ()
      %dma_wait3A_321 = arith.constant 0 : i32
      %dma_wait3A_322 = arith.constant 0 : i32
      %dma_wait3A_323 = tpu.memref_slice %arg6[%dma_wait3A_321, %dma_wait3A_322] : memref<16x128xi32, #tpu.memory_space<vmem>> -> memref<1x128xi32, #tpu.memory_space<vmem>>
      %dma_wait3A_324 = tpu.memref_squeeze %dma_wait3A_323 : memref<1x128xi32, #tpu.memory_space<vmem>> -> memref<128xi32, #tpu.memory_space<vmem>>
      %dma_wait3A_325 = arith.constant 0 : i32
      %dma_wait3A_326 = arith.constant 0 : i32
      %dma_wait3A_327 = tpu.memref_slice %arg2[%dma_wait3A_325, %dma_wait3A_326] : memref<20000x128xf32, #tpu.memory_space<hbm>> -> memref<20000x128xf32, #tpu.memory_space<hbm>>
      tpu.wait_indirect_dma semaphore(%arg11 : memref<!tpu.dma_semaphore, #tpu.memory_space<semaphore_mem>>) src(%dma_wait3A_327 : memref<20000x128xf32, #tpu.memory_space<hbm>>) dst(%arg8 : memref<128x128xf32, #tpu.memory_space<vmem>>)
      %dma_start3A_328 = arith.constant 7 : i32
      %dma_start3A_329 = arith.constant 0 : i32
      %dma_start3A_330 = tpu.memref_slice %arg6[%dma_start3A_328, %dma_start3A_329] : memref<16x128xi32, #tpu.memory_space<vmem>> -> memref<1x128xi32, #tpu.memory_space<vmem>>
      %dma_start3A_331 = tpu.memref_squeeze %dma_start3A_330 : memref<1x128xi32, #tpu.memory_space<vmem>> -> memref<128xi32, #tpu.memory_space<vmem>>
      %dma_start3A_332 = arith.constant 0 : i32
      %dma_start3A_333 = arith.constant 0 : i32
      %dma_start3A_334 = tpu.memref_slice %arg2[%dma_start3A_332, %dma_start3A_333] : memref<20000x128xf32, #tpu.memory_space<hbm>> -> memref<20000x128xf32, #tpu.memory_space<hbm>>
      tpu.enqueue_indirect_dma source(%dma_start3A_334 : memref<20000x128xf32, #tpu.memory_space<hbm>>) target(%arg9 : memref<128x128xf32, #tpu.memory_space<vmem>>) offsets(%dma_start3A_331 : memref<128xi32, #tpu.memory_space<vmem>>) semaphore(%arg11 : memref<!tpu.dma_semaphore, #tpu.memory_space<semaphore_mem>>)
      %run_scoped3A_335 = arith.constant 6 : i32
      "tpu.region"() ({
        %run_scoped3A_480 = tpu.sem_alloc : memref<!tpu.dma_semaphore, #tpu.memory_space<semaphore_mem>>
        %dma_start3A_481 = arith.constant 0 : i32
        %dma_start3A_482 = tpu.memref_slice %arg7[%run_scoped3A_335, %dma_start3A_481] : memref<16x128xi32, #tpu.memory_space<vmem>> -> memref<1x128xi32, #tpu.memory_space<vmem>>
        %dma_start3A_483 = tpu.memref_squeeze %dma_start3A_482 : memref<1x128xi32, #tpu.memory_space<vmem>> -> memref<128xi32, #tpu.memory_space<vmem>>
        %dma_start3A_484 = arith.constant 0 : i32
        %dma_start3A_485 = arith.constant 0 : i32
        %dma_start3A_486 = tpu.memref_slice %arg10[%dma_start3A_484, %dma_start3A_485] : memref<10240x128xf32, #tpu.memory_space<vmem_shared>> -> memref<10240x128xf32, #tpu.memory_space<vmem_shared>>
        tpu.enqueue_indirect_dma source(%arg8 : memref<128x128xf32, #tpu.memory_space<vmem>>) target(%dma_start3A_486 : memref<10240x128xf32, #tpu.memory_space<vmem_shared>>) offsets(%dma_start3A_483 : memref<128xi32, #tpu.memory_space<vmem>>) semaphore(%run_scoped3A_480 : memref<!tpu.dma_semaphore, #tpu.memory_space<semaphore_mem>>) {add = true}
        %dma_wait3A_487 = arith.constant 0 : i32
        %dma_wait3A_488 = tpu.memref_slice %arg7[%run_scoped3A_335, %dma_wait3A_487] : memref<16x128xi32, #tpu.memory_space<vmem>> -> memref<1x128xi32, #tpu.memory_space<vmem>>
        %dma_wait3A_489 = tpu.memref_squeeze %dma_wait3A_488 : memref<1x128xi32, #tpu.memory_space<vmem>> -> memref<128xi32, #tpu.memory_space<vmem>>
        %dma_wait3A_490 = arith.constant 0 : i32
        %dma_wait3A_491 = arith.constant 0 : i32
        %dma_wait3A_492 = tpu.memref_slice %arg10[%dma_wait3A_490, %dma_wait3A_491] : memref<10240x128xf32, #tpu.memory_space<vmem_shared>> -> memref<10240x128xf32, #tpu.memory_space<vmem_shared>>
        tpu.wait_indirect_dma semaphore(%run_scoped3A_480 : memref<!tpu.dma_semaphore, #tpu.memory_space<semaphore_mem>>) src(%arg8 : memref<128x128xf32, #tpu.memory_space<vmem>>) dst(%dma_wait3A_492 : memref<10240x128xf32, #tpu.memory_space<vmem_shared>>)
        tpu.yield
      }) : () -> ()
      %dma_wait3A_336 = arith.constant 0 : i32
      %dma_wait3A_337 = arith.constant 0 : i32
      %dma_wait3A_338 = tpu.memref_slice %arg6[%dma_wait3A_336, %dma_wait3A_337] : memref<16x128xi32, #tpu.memory_space<vmem>> -> memref<1x128xi32, #tpu.memory_space<vmem>>
      %dma_wait3A_339 = tpu.memref_squeeze %dma_wait3A_338 : memref<1x128xi32, #tpu.memory_space<vmem>> -> memref<128xi32, #tpu.memory_space<vmem>>
      %dma_wait3A_340 = arith.constant 0 : i32
      %dma_wait3A_341 = arith.constant 0 : i32
      %dma_wait3A_342 = tpu.memref_slice %arg2[%dma_wait3A_340, %dma_wait3A_341] : memref<20000x128xf32, #tpu.memory_space<hbm>> -> memref<20000x128xf32, #tpu.memory_space<hbm>>
      tpu.wait_indirect_dma semaphore(%arg11 : memref<!tpu.dma_semaphore, #tpu.memory_space<semaphore_mem>>) src(%dma_wait3A_342 : memref<20000x128xf32, #tpu.memory_space<hbm>>) dst(%arg9 : memref<128x128xf32, #tpu.memory_space<vmem>>)
      %dma_start3A_343 = arith.constant 8 : i32
      %dma_start3A_344 = arith.constant 0 : i32
      %dma_start3A_345 = tpu.memref_slice %arg6[%dma_start3A_343, %dma_start3A_344] : memref<16x128xi32, #tpu.memory_space<vmem>> -> memref<1x128xi32, #tpu.memory_space<vmem>>
      %dma_start3A_346 = tpu.memref_squeeze %dma_start3A_345 : memref<1x128xi32, #tpu.memory_space<vmem>> -> memref<128xi32, #tpu.memory_space<vmem>>
      %dma_start3A_347 = arith.constant 0 : i32
      %dma_start3A_348 = arith.constant 0 : i32
      %dma_start3A_349 = tpu.memref_slice %arg2[%dma_start3A_347, %dma_start3A_348] : memref<20000x128xf32, #tpu.memory_space<hbm>> -> memref<20000x128xf32, #tpu.memory_space<hbm>>
      tpu.enqueue_indirect_dma source(%dma_start3A_349 : memref<20000x128xf32, #tpu.memory_space<hbm>>) target(%arg8 : memref<128x128xf32, #tpu.memory_space<vmem>>) offsets(%dma_start3A_346 : memref<128xi32, #tpu.memory_space<vmem>>) semaphore(%arg11 : memref<!tpu.dma_semaphore, #tpu.memory_space<semaphore_mem>>)
      %run_scoped3A_350 = arith.constant 7 : i32
      "tpu.region"() ({
        %run_scoped3A_480 = tpu.sem_alloc : memref<!tpu.dma_semaphore, #tpu.memory_space<semaphore_mem>>
        %dma_start3A_481 = arith.constant 0 : i32
        %dma_start3A_482 = tpu.memref_slice %arg7[%run_scoped3A_350, %dma_start3A_481] : memref<16x128xi32, #tpu.memory_space<vmem>> -> memref<1x128xi32, #tpu.memory_space<vmem>>
        %dma_start3A_483 = tpu.memref_squeeze %dma_start3A_482 : memref<1x128xi32, #tpu.memory_space<vmem>> -> memref<128xi32, #tpu.memory_space<vmem>>
        %dma_start3A_484 = arith.constant 0 : i32
        %dma_start3A_485 = arith.constant 0 : i32
        %dma_start3A_486 = tpu.memref_slice %arg10[%dma_start3A_484, %dma_start3A_485] : memref<10240x128xf32, #tpu.memory_space<vmem_shared>> -> memref<10240x128xf32, #tpu.memory_space<vmem_shared>>
        tpu.enqueue_indirect_dma source(%arg9 : memref<128x128xf32, #tpu.memory_space<vmem>>) target(%dma_start3A_486 : memref<10240x128xf32, #tpu.memory_space<vmem_shared>>) offsets(%dma_start3A_483 : memref<128xi32, #tpu.memory_space<vmem>>) semaphore(%run_scoped3A_480 : memref<!tpu.dma_semaphore, #tpu.memory_space<semaphore_mem>>) {add = true}
        %dma_wait3A_487 = arith.constant 0 : i32
        %dma_wait3A_488 = tpu.memref_slice %arg7[%run_scoped3A_350, %dma_wait3A_487] : memref<16x128xi32, #tpu.memory_space<vmem>> -> memref<1x128xi32, #tpu.memory_space<vmem>>
        %dma_wait3A_489 = tpu.memref_squeeze %dma_wait3A_488 : memref<1x128xi32, #tpu.memory_space<vmem>> -> memref<128xi32, #tpu.memory_space<vmem>>
        %dma_wait3A_490 = arith.constant 0 : i32
        %dma_wait3A_491 = arith.constant 0 : i32
        %dma_wait3A_492 = tpu.memref_slice %arg10[%dma_wait3A_490, %dma_wait3A_491] : memref<10240x128xf32, #tpu.memory_space<vmem_shared>> -> memref<10240x128xf32, #tpu.memory_space<vmem_shared>>
        tpu.wait_indirect_dma semaphore(%run_scoped3A_480 : memref<!tpu.dma_semaphore, #tpu.memory_space<semaphore_mem>>) src(%arg9 : memref<128x128xf32, #tpu.memory_space<vmem>>) dst(%dma_wait3A_492 : memref<10240x128xf32, #tpu.memory_space<vmem_shared>>)
        tpu.yield
      }) : () -> ()
      %dma_wait3A_351 = arith.constant 0 : i32
      %dma_wait3A_352 = arith.constant 0 : i32
      %dma_wait3A_353 = tpu.memref_slice %arg6[%dma_wait3A_351, %dma_wait3A_352] : memref<16x128xi32, #tpu.memory_space<vmem>> -> memref<1x128xi32, #tpu.memory_space<vmem>>
      %dma_wait3A_354 = tpu.memref_squeeze %dma_wait3A_353 : memref<1x128xi32, #tpu.memory_space<vmem>> -> memref<128xi32, #tpu.memory_space<vmem>>
      %dma_wait3A_355 = arith.constant 0 : i32
      %dma_wait3A_356 = arith.constant 0 : i32
      %dma_wait3A_357 = tpu.memref_slice %arg2[%dma_wait3A_355, %dma_wait3A_356] : memref<20000x128xf32, #tpu.memory_space<hbm>> -> memref<20000x128xf32, #tpu.memory_space<hbm>>
      tpu.wait_indirect_dma semaphore(%arg11 : memref<!tpu.dma_semaphore, #tpu.memory_space<semaphore_mem>>) src(%dma_wait3A_357 : memref<20000x128xf32, #tpu.memory_space<hbm>>) dst(%arg8 : memref<128x128xf32, #tpu.memory_space<vmem>>)
      %dma_start3A_358 = arith.constant 9 : i32
      %dma_start3A_359 = arith.constant 0 : i32
      %dma_start3A_360 = tpu.memref_slice %arg6[%dma_start3A_358, %dma_start3A_359] : memref<16x128xi32, #tpu.memory_space<vmem>> -> memref<1x128xi32, #tpu.memory_space<vmem>>
      %dma_start3A_361 = tpu.memref_squeeze %dma_start3A_360 : memref<1x128xi32, #tpu.memory_space<vmem>> -> memref<128xi32, #tpu.memory_space<vmem>>
      %dma_start3A_362 = arith.constant 0 : i32
      %dma_start3A_363 = arith.constant 0 : i32
      %dma_start3A_364 = tpu.memref_slice %arg2[%dma_start3A_362, %dma_start3A_363] : memref<20000x128xf32, #tpu.memory_space<hbm>> -> memref<20000x128xf32, #tpu.memory_space<hbm>>
      tpu.enqueue_indirect_dma source(%dma_start3A_364 : memref<20000x128xf32, #tpu.memory_space<hbm>>) target(%arg9 : memref<128x128xf32, #tpu.memory_space<vmem>>) offsets(%dma_start3A_361 : memref<128xi32, #tpu.memory_space<vmem>>) semaphore(%arg11 : memref<!tpu.dma_semaphore, #tpu.memory_space<semaphore_mem>>)
      %run_scoped3A_365 = arith.constant 8 : i32
      "tpu.region"() ({
        %run_scoped3A_480 = tpu.sem_alloc : memref<!tpu.dma_semaphore, #tpu.memory_space<semaphore_mem>>
        %dma_start3A_481 = arith.constant 0 : i32
        %dma_start3A_482 = tpu.memref_slice %arg7[%run_scoped3A_365, %dma_start3A_481] : memref<16x128xi32, #tpu.memory_space<vmem>> -> memref<1x128xi32, #tpu.memory_space<vmem>>
        %dma_start3A_483 = tpu.memref_squeeze %dma_start3A_482 : memref<1x128xi32, #tpu.memory_space<vmem>> -> memref<128xi32, #tpu.memory_space<vmem>>
        %dma_start3A_484 = arith.constant 0 : i32
        %dma_start3A_485 = arith.constant 0 : i32
        %dma_start3A_486 = tpu.memref_slice %arg10[%dma_start3A_484, %dma_start3A_485] : memref<10240x128xf32, #tpu.memory_space<vmem_shared>> -> memref<10240x128xf32, #tpu.memory_space<vmem_shared>>
        tpu.enqueue_indirect_dma source(%arg8 : memref<128x128xf32, #tpu.memory_space<vmem>>) target(%dma_start3A_486 : memref<10240x128xf32, #tpu.memory_space<vmem_shared>>) offsets(%dma_start3A_483 : memref<128xi32, #tpu.memory_space<vmem>>) semaphore(%run_scoped3A_480 : memref<!tpu.dma_semaphore, #tpu.memory_space<semaphore_mem>>) {add = true}
        %dma_wait3A_487 = arith.constant 0 : i32
        %dma_wait3A_488 = tpu.memref_slice %arg7[%run_scoped3A_365, %dma_wait3A_487] : memref<16x128xi32, #tpu.memory_space<vmem>> -> memref<1x128xi32, #tpu.memory_space<vmem>>
        %dma_wait3A_489 = tpu.memref_squeeze %dma_wait3A_488 : memref<1x128xi32, #tpu.memory_space<vmem>> -> memref<128xi32, #tpu.memory_space<vmem>>
        %dma_wait3A_490 = arith.constant 0 : i32
        %dma_wait3A_491 = arith.constant 0 : i32
        %dma_wait3A_492 = tpu.memref_slice %arg10[%dma_wait3A_490, %dma_wait3A_491] : memref<10240x128xf32, #tpu.memory_space<vmem_shared>> -> memref<10240x128xf32, #tpu.memory_space<vmem_shared>>
        tpu.wait_indirect_dma semaphore(%run_scoped3A_480 : memref<!tpu.dma_semaphore, #tpu.memory_space<semaphore_mem>>) src(%arg8 : memref<128x128xf32, #tpu.memory_space<vmem>>) dst(%dma_wait3A_492 : memref<10240x128xf32, #tpu.memory_space<vmem_shared>>)
        tpu.yield
      }) : () -> ()
      %dma_wait3A_366 = arith.constant 0 : i32
      %dma_wait3A_367 = arith.constant 0 : i32
      %dma_wait3A_368 = tpu.memref_slice %arg6[%dma_wait3A_366, %dma_wait3A_367] : memref<16x128xi32, #tpu.memory_space<vmem>> -> memref<1x128xi32, #tpu.memory_space<vmem>>
      %dma_wait3A_369 = tpu.memref_squeeze %dma_wait3A_368 : memref<1x128xi32, #tpu.memory_space<vmem>> -> memref<128xi32, #tpu.memory_space<vmem>>
      %dma_wait3A_370 = arith.constant 0 : i32
      %dma_wait3A_371 = arith.constant 0 : i32
      %dma_wait3A_372 = tpu.memref_slice %arg2[%dma_wait3A_370, %dma_wait3A_371] : memref<20000x128xf32, #tpu.memory_space<hbm>> -> memref<20000x128xf32, #tpu.memory_space<hbm>>
      tpu.wait_indirect_dma semaphore(%arg11 : memref<!tpu.dma_semaphore, #tpu.memory_space<semaphore_mem>>) src(%dma_wait3A_372 : memref<20000x128xf32, #tpu.memory_space<hbm>>) dst(%arg9 : memref<128x128xf32, #tpu.memory_space<vmem>>)
      %dma_start3A_373 = arith.constant 10 : i32
      %dma_start3A_374 = arith.constant 0 : i32
      %dma_start3A_375 = tpu.memref_slice %arg6[%dma_start3A_373, %dma_start3A_374] : memref<16x128xi32, #tpu.memory_space<vmem>> -> memref<1x128xi32, #tpu.memory_space<vmem>>
      %dma_start3A_376 = tpu.memref_squeeze %dma_start3A_375 : memref<1x128xi32, #tpu.memory_space<vmem>> -> memref<128xi32, #tpu.memory_space<vmem>>
      %dma_start3A_377 = arith.constant 0 : i32
      %dma_start3A_378 = arith.constant 0 : i32
      %dma_start3A_379 = tpu.memref_slice %arg2[%dma_start3A_377, %dma_start3A_378] : memref<20000x128xf32, #tpu.memory_space<hbm>> -> memref<20000x128xf32, #tpu.memory_space<hbm>>
      tpu.enqueue_indirect_dma source(%dma_start3A_379 : memref<20000x128xf32, #tpu.memory_space<hbm>>) target(%arg8 : memref<128x128xf32, #tpu.memory_space<vmem>>) offsets(%dma_start3A_376 : memref<128xi32, #tpu.memory_space<vmem>>) semaphore(%arg11 : memref<!tpu.dma_semaphore, #tpu.memory_space<semaphore_mem>>)
      %run_scoped3A_380 = arith.constant 9 : i32
      "tpu.region"() ({
        %run_scoped3A_480 = tpu.sem_alloc : memref<!tpu.dma_semaphore, #tpu.memory_space<semaphore_mem>>
        %dma_start3A_481 = arith.constant 0 : i32
        %dma_start3A_482 = tpu.memref_slice %arg7[%run_scoped3A_380, %dma_start3A_481] : memref<16x128xi32, #tpu.memory_space<vmem>> -> memref<1x128xi32, #tpu.memory_space<vmem>>
        %dma_start3A_483 = tpu.memref_squeeze %dma_start3A_482 : memref<1x128xi32, #tpu.memory_space<vmem>> -> memref<128xi32, #tpu.memory_space<vmem>>
        %dma_start3A_484 = arith.constant 0 : i32
        %dma_start3A_485 = arith.constant 0 : i32
        %dma_start3A_486 = tpu.memref_slice %arg10[%dma_start3A_484, %dma_start3A_485] : memref<10240x128xf32, #tpu.memory_space<vmem_shared>> -> memref<10240x128xf32, #tpu.memory_space<vmem_shared>>
        tpu.enqueue_indirect_dma source(%arg9 : memref<128x128xf32, #tpu.memory_space<vmem>>) target(%dma_start3A_486 : memref<10240x128xf32, #tpu.memory_space<vmem_shared>>) offsets(%dma_start3A_483 : memref<128xi32, #tpu.memory_space<vmem>>) semaphore(%run_scoped3A_480 : memref<!tpu.dma_semaphore, #tpu.memory_space<semaphore_mem>>) {add = true}
        %dma_wait3A_487 = arith.constant 0 : i32
        %dma_wait3A_488 = tpu.memref_slice %arg7[%run_scoped3A_380, %dma_wait3A_487] : memref<16x128xi32, #tpu.memory_space<vmem>> -> memref<1x128xi32, #tpu.memory_space<vmem>>
        %dma_wait3A_489 = tpu.memref_squeeze %dma_wait3A_488 : memref<1x128xi32, #tpu.memory_space<vmem>> -> memref<128xi32, #tpu.memory_space<vmem>>
        %dma_wait3A_490 = arith.constant 0 : i32
        %dma_wait3A_491 = arith.constant 0 : i32
        %dma_wait3A_492 = tpu.memref_slice %arg10[%dma_wait3A_490, %dma_wait3A_491] : memref<10240x128xf32, #tpu.memory_space<vmem_shared>> -> memref<10240x128xf32, #tpu.memory_space<vmem_shared>>
        tpu.wait_indirect_dma semaphore(%run_scoped3A_480 : memref<!tpu.dma_semaphore, #tpu.memory_space<semaphore_mem>>) src(%arg9 : memref<128x128xf32, #tpu.memory_space<vmem>>) dst(%dma_wait3A_492 : memref<10240x128xf32, #tpu.memory_space<vmem_shared>>)
        tpu.yield
      }) : () -> ()
      %dma_wait3A_381 = arith.constant 0 : i32
      %dma_wait3A_382 = arith.constant 0 : i32
      %dma_wait3A_383 = tpu.memref_slice %arg6[%dma_wait3A_381, %dma_wait3A_382] : memref<16x128xi32, #tpu.memory_space<vmem>> -> memref<1x128xi32, #tpu.memory_space<vmem>>
      %dma_wait3A_384 = tpu.memref_squeeze %dma_wait3A_383 : memref<1x128xi32, #tpu.memory_space<vmem>> -> memref<128xi32, #tpu.memory_space<vmem>>
      %dma_wait3A_385 = arith.constant 0 : i32
      %dma_wait3A_386 = arith.constant 0 : i32
      %dma_wait3A_387 = tpu.memref_slice %arg2[%dma_wait3A_385, %dma_wait3A_386] : memref<20000x128xf32, #tpu.memory_space<hbm>> -> memref<20000x128xf32, #tpu.memory_space<hbm>>
      tpu.wait_indirect_dma semaphore(%arg11 : memref<!tpu.dma_semaphore, #tpu.memory_space<semaphore_mem>>) src(%dma_wait3A_387 : memref<20000x128xf32, #tpu.memory_space<hbm>>) dst(%arg8 : memref<128x128xf32, #tpu.memory_space<vmem>>)
      %dma_start3A_388 = arith.constant 11 : i32
      %dma_start3A_389 = arith.constant 0 : i32
      %dma_start3A_390 = tpu.memref_slice %arg6[%dma_start3A_388, %dma_start3A_389] : memref<16x128xi32, #tpu.memory_space<vmem>> -> memref<1x128xi32, #tpu.memory_space<vmem>>
      %dma_start3A_391 = tpu.memref_squeeze %dma_start3A_390 : memref<1x128xi32, #tpu.memory_space<vmem>> -> memref<128xi32, #tpu.memory_space<vmem>>
      %dma_start3A_392 = arith.constant 0 : i32
      %dma_start3A_393 = arith.constant 0 : i32
      %dma_start3A_394 = tpu.memref_slice %arg2[%dma_start3A_392, %dma_start3A_393] : memref<20000x128xf32, #tpu.memory_space<hbm>> -> memref<20000x128xf32, #tpu.memory_space<hbm>>
      tpu.enqueue_indirect_dma source(%dma_start3A_394 : memref<20000x128xf32, #tpu.memory_space<hbm>>) target(%arg9 : memref<128x128xf32, #tpu.memory_space<vmem>>) offsets(%dma_start3A_391 : memref<128xi32, #tpu.memory_space<vmem>>) semaphore(%arg11 : memref<!tpu.dma_semaphore, #tpu.memory_space<semaphore_mem>>)
      %run_scoped3A_395 = arith.constant 10 : i32
      "tpu.region"() ({
        %run_scoped3A_480 = tpu.sem_alloc : memref<!tpu.dma_semaphore, #tpu.memory_space<semaphore_mem>>
        %dma_start3A_481 = arith.constant 0 : i32
        %dma_start3A_482 = tpu.memref_slice %arg7[%run_scoped3A_395, %dma_start3A_481] : memref<16x128xi32, #tpu.memory_space<vmem>> -> memref<1x128xi32, #tpu.memory_space<vmem>>
        %dma_start3A_483 = tpu.memref_squeeze %dma_start3A_482 : memref<1x128xi32, #tpu.memory_space<vmem>> -> memref<128xi32, #tpu.memory_space<vmem>>
        %dma_start3A_484 = arith.constant 0 : i32
        %dma_start3A_485 = arith.constant 0 : i32
        %dma_start3A_486 = tpu.memref_slice %arg10[%dma_start3A_484, %dma_start3A_485] : memref<10240x128xf32, #tpu.memory_space<vmem_shared>> -> memref<10240x128xf32, #tpu.memory_space<vmem_shared>>
        tpu.enqueue_indirect_dma source(%arg8 : memref<128x128xf32, #tpu.memory_space<vmem>>) target(%dma_start3A_486 : memref<10240x128xf32, #tpu.memory_space<vmem_shared>>) offsets(%dma_start3A_483 : memref<128xi32, #tpu.memory_space<vmem>>) semaphore(%run_scoped3A_480 : memref<!tpu.dma_semaphore, #tpu.memory_space<semaphore_mem>>) {add = true}
        %dma_wait3A_487 = arith.constant 0 : i32
        %dma_wait3A_488 = tpu.memref_slice %arg7[%run_scoped3A_395, %dma_wait3A_487] : memref<16x128xi32, #tpu.memory_space<vmem>> -> memref<1x128xi32, #tpu.memory_space<vmem>>
        %dma_wait3A_489 = tpu.memref_squeeze %dma_wait3A_488 : memref<1x128xi32, #tpu.memory_space<vmem>> -> memref<128xi32, #tpu.memory_space<vmem>>
        %dma_wait3A_490 = arith.constant 0 : i32
        %dma_wait3A_491 = arith.constant 0 : i32
        %dma_wait3A_492 = tpu.memref_slice %arg10[%dma_wait3A_490, %dma_wait3A_491] : memref<10240x128xf32, #tpu.memory_space<vmem_shared>> -> memref<10240x128xf32, #tpu.memory_space<vmem_shared>>
        tpu.wait_indirect_dma semaphore(%run_scoped3A_480 : memref<!tpu.dma_semaphore, #tpu.memory_space<semaphore_mem>>) src(%arg8 : memref<128x128xf32, #tpu.memory_space<vmem>>) dst(%dma_wait3A_492 : memref<10240x128xf32, #tpu.memory_space<vmem_shared>>)
        tpu.yield
      }) : () -> ()
      %dma_wait3A_396 = arith.constant 0 : i32
      %dma_wait3A_397 = arith.constant 0 : i32
      %dma_wait3A_398 = tpu.memref_slice %arg6[%dma_wait3A_396, %dma_wait3A_397] : memref<16x128xi32, #tpu.memory_space<vmem>> -> memref<1x128xi32, #tpu.memory_space<vmem>>
      %dma_wait3A_399 = tpu.memref_squeeze %dma_wait3A_398 : memref<1x128xi32, #tpu.memory_space<vmem>> -> memref<128xi32, #tpu.memory_space<vmem>>
      %dma_wait3A_400 = arith.constant 0 : i32
      %dma_wait3A_401 = arith.constant 0 : i32
      %dma_wait3A_402 = tpu.memref_slice %arg2[%dma_wait3A_400, %dma_wait3A_401] : memref<20000x128xf32, #tpu.memory_space<hbm>> -> memref<20000x128xf32, #tpu.memory_space<hbm>>
      tpu.wait_indirect_dma semaphore(%arg11 : memref<!tpu.dma_semaphore, #tpu.memory_space<semaphore_mem>>) src(%dma_wait3A_402 : memref<20000x128xf32, #tpu.memory_space<hbm>>) dst(%arg9 : memref<128x128xf32, #tpu.memory_space<vmem>>)
      %dma_start3A_403 = arith.constant 12 : i32
      %dma_start3A_404 = arith.constant 0 : i32
      %dma_start3A_405 = tpu.memref_slice %arg6[%dma_start3A_403, %dma_start3A_404] : memref<16x128xi32, #tpu.memory_space<vmem>> -> memref<1x128xi32, #tpu.memory_space<vmem>>
      %dma_start3A_406 = tpu.memref_squeeze %dma_start3A_405 : memref<1x128xi32, #tpu.memory_space<vmem>> -> memref<128xi32, #tpu.memory_space<vmem>>
      %dma_start3A_407 = arith.constant 0 : i32
      %dma_start3A_408 = arith.constant 0 : i32
      %dma_start3A_409 = tpu.memref_slice %arg2[%dma_start3A_407, %dma_start3A_408] : memref<20000x128xf32, #tpu.memory_space<hbm>> -> memref<20000x128xf32, #tpu.memory_space<hbm>>
      tpu.enqueue_indirect_dma source(%dma_start3A_409 : memref<20000x128xf32, #tpu.memory_space<hbm>>) target(%arg8 : memref<128x128xf32, #tpu.memory_space<vmem>>) offsets(%dma_start3A_406 : memref<128xi32, #tpu.memory_space<vmem>>) semaphore(%arg11 : memref<!tpu.dma_semaphore, #tpu.memory_space<semaphore_mem>>)
      %run_scoped3A_410 = arith.constant 11 : i32
      "tpu.region"() ({
        %run_scoped3A_480 = tpu.sem_alloc : memref<!tpu.dma_semaphore, #tpu.memory_space<semaphore_mem>>
        %dma_start3A_481 = arith.constant 0 : i32
        %dma_start3A_482 = tpu.memref_slice %arg7[%run_scoped3A_410, %dma_start3A_481] : memref<16x128xi32, #tpu.memory_space<vmem>> -> memref<1x128xi32, #tpu.memory_space<vmem>>
        %dma_start3A_483 = tpu.memref_squeeze %dma_start3A_482 : memref<1x128xi32, #tpu.memory_space<vmem>> -> memref<128xi32, #tpu.memory_space<vmem>>
        %dma_start3A_484 = arith.constant 0 : i32
        %dma_start3A_485 = arith.constant 0 : i32
        %dma_start3A_486 = tpu.memref_slice %arg10[%dma_start3A_484, %dma_start3A_485] : memref<10240x128xf32, #tpu.memory_space<vmem_shared>> -> memref<10240x128xf32, #tpu.memory_space<vmem_shared>>
        tpu.enqueue_indirect_dma source(%arg9 : memref<128x128xf32, #tpu.memory_space<vmem>>) target(%dma_start3A_486 : memref<10240x128xf32, #tpu.memory_space<vmem_shared>>) offsets(%dma_start3A_483 : memref<128xi32, #tpu.memory_space<vmem>>) semaphore(%run_scoped3A_480 : memref<!tpu.dma_semaphore, #tpu.memory_space<semaphore_mem>>) {add = true}
        %dma_wait3A_487 = arith.constant 0 : i32
        %dma_wait3A_488 = tpu.memref_slice %arg7[%run_scoped3A_410, %dma_wait3A_487] : memref<16x128xi32, #tpu.memory_space<vmem>> -> memref<1x128xi32, #tpu.memory_space<vmem>>
        %dma_wait3A_489 = tpu.memref_squeeze %dma_wait3A_488 : memref<1x128xi32, #tpu.memory_space<vmem>> -> memref<128xi32, #tpu.memory_space<vmem>>
        %dma_wait3A_490 = arith.constant 0 : i32
        %dma_wait3A_491 = arith.constant 0 : i32
        %dma_wait3A_492 = tpu.memref_slice %arg10[%dma_wait3A_490, %dma_wait3A_491] : memref<10240x128xf32, #tpu.memory_space<vmem_shared>> -> memref<10240x128xf32, #tpu.memory_space<vmem_shared>>
        tpu.wait_indirect_dma semaphore(%run_scoped3A_480 : memref<!tpu.dma_semaphore, #tpu.memory_space<semaphore_mem>>) src(%arg9 : memref<128x128xf32, #tpu.memory_space<vmem>>) dst(%dma_wait3A_492 : memref<10240x128xf32, #tpu.memory_space<vmem_shared>>)
        tpu.yield
      }) : () -> ()
      %dma_wait3A_411 = arith.constant 0 : i32
      %dma_wait3A_412 = arith.constant 0 : i32
      %dma_wait3A_413 = tpu.memref_slice %arg6[%dma_wait3A_411, %dma_wait3A_412] : memref<16x128xi32, #tpu.memory_space<vmem>> -> memref<1x128xi32, #tpu.memory_space<vmem>>
      %dma_wait3A_414 = tpu.memref_squeeze %dma_wait3A_413 : memref<1x128xi32, #tpu.memory_space<vmem>> -> memref<128xi32, #tpu.memory_space<vmem>>
      %dma_wait3A_415 = arith.constant 0 : i32
      %dma_wait3A_416 = arith.constant 0 : i32
      %dma_wait3A_417 = tpu.memref_slice %arg2[%dma_wait3A_415, %dma_wait3A_416] : memref<20000x128xf32, #tpu.memory_space<hbm>> -> memref<20000x128xf32, #tpu.memory_space<hbm>>
      tpu.wait_indirect_dma semaphore(%arg11 : memref<!tpu.dma_semaphore, #tpu.memory_space<semaphore_mem>>) src(%dma_wait3A_417 : memref<20000x128xf32, #tpu.memory_space<hbm>>) dst(%arg8 : memref<128x128xf32, #tpu.memory_space<vmem>>)
      %dma_start3A_418 = arith.constant 13 : i32
      %dma_start3A_419 = arith.constant 0 : i32
      %dma_start3A_420 = tpu.memref_slice %arg6[%dma_start3A_418, %dma_start3A_419] : memref<16x128xi32, #tpu.memory_space<vmem>> -> memref<1x128xi32, #tpu.memory_space<vmem>>
      %dma_start3A_421 = tpu.memref_squeeze %dma_start3A_420 : memref<1x128xi32, #tpu.memory_space<vmem>> -> memref<128xi32, #tpu.memory_space<vmem>>
      %dma_start3A_422 = arith.constant 0 : i32
      %dma_start3A_423 = arith.constant 0 : i32
      %dma_start3A_424 = tpu.memref_slice %arg2[%dma_start3A_422, %dma_start3A_423] : memref<20000x128xf32, #tpu.memory_space<hbm>> -> memref<20000x128xf32, #tpu.memory_space<hbm>>
      tpu.enqueue_indirect_dma source(%dma_start3A_424 : memref<20000x128xf32, #tpu.memory_space<hbm>>) target(%arg9 : memref<128x128xf32, #tpu.memory_space<vmem>>) offsets(%dma_start3A_421 : memref<128xi32, #tpu.memory_space<vmem>>) semaphore(%arg11 : memref<!tpu.dma_semaphore, #tpu.memory_space<semaphore_mem>>)
      %run_scoped3A_425 = arith.constant 12 : i32
      "tpu.region"() ({
        %run_scoped3A_480 = tpu.sem_alloc : memref<!tpu.dma_semaphore, #tpu.memory_space<semaphore_mem>>
        %dma_start3A_481 = arith.constant 0 : i32
        %dma_start3A_482 = tpu.memref_slice %arg7[%run_scoped3A_425, %dma_start3A_481] : memref<16x128xi32, #tpu.memory_space<vmem>> -> memref<1x128xi32, #tpu.memory_space<vmem>>
        %dma_start3A_483 = tpu.memref_squeeze %dma_start3A_482 : memref<1x128xi32, #tpu.memory_space<vmem>> -> memref<128xi32, #tpu.memory_space<vmem>>
        %dma_start3A_484 = arith.constant 0 : i32
        %dma_start3A_485 = arith.constant 0 : i32
        %dma_start3A_486 = tpu.memref_slice %arg10[%dma_start3A_484, %dma_start3A_485] : memref<10240x128xf32, #tpu.memory_space<vmem_shared>> -> memref<10240x128xf32, #tpu.memory_space<vmem_shared>>
        tpu.enqueue_indirect_dma source(%arg8 : memref<128x128xf32, #tpu.memory_space<vmem>>) target(%dma_start3A_486 : memref<10240x128xf32, #tpu.memory_space<vmem_shared>>) offsets(%dma_start3A_483 : memref<128xi32, #tpu.memory_space<vmem>>) semaphore(%run_scoped3A_480 : memref<!tpu.dma_semaphore, #tpu.memory_space<semaphore_mem>>) {add = true}
        %dma_wait3A_487 = arith.constant 0 : i32
        %dma_wait3A_488 = tpu.memref_slice %arg7[%run_scoped3A_425, %dma_wait3A_487] : memref<16x128xi32, #tpu.memory_space<vmem>> -> memref<1x128xi32, #tpu.memory_space<vmem>>
        %dma_wait3A_489 = tpu.memref_squeeze %dma_wait3A_488 : memref<1x128xi32, #tpu.memory_space<vmem>> -> memref<128xi32, #tpu.memory_space<vmem>>
        %dma_wait3A_490 = arith.constant 0 : i32
        %dma_wait3A_491 = arith.constant 0 : i32
        %dma_wait3A_492 = tpu.memref_slice %arg10[%dma_wait3A_490, %dma_wait3A_491] : memref<10240x128xf32, #tpu.memory_space<vmem_shared>> -> memref<10240x128xf32, #tpu.memory_space<vmem_shared>>
        tpu.wait_indirect_dma semaphore(%run_scoped3A_480 : memref<!tpu.dma_semaphore, #tpu.memory_space<semaphore_mem>>) src(%arg8 : memref<128x128xf32, #tpu.memory_space<vmem>>) dst(%dma_wait3A_492 : memref<10240x128xf32, #tpu.memory_space<vmem_shared>>)
        tpu.yield
      }) : () -> ()
      %dma_wait3A_426 = arith.constant 0 : i32
      %dma_wait3A_427 = arith.constant 0 : i32
      %dma_wait3A_428 = tpu.memref_slice %arg6[%dma_wait3A_426, %dma_wait3A_427] : memref<16x128xi32, #tpu.memory_space<vmem>> -> memref<1x128xi32, #tpu.memory_space<vmem>>
      %dma_wait3A_429 = tpu.memref_squeeze %dma_wait3A_428 : memref<1x128xi32, #tpu.memory_space<vmem>> -> memref<128xi32, #tpu.memory_space<vmem>>
      %dma_wait3A_430 = arith.constant 0 : i32
      %dma_wait3A_431 = arith.constant 0 : i32
      %dma_wait3A_432 = tpu.memref_slice %arg2[%dma_wait3A_430, %dma_wait3A_431] : memref<20000x128xf32, #tpu.memory_space<hbm>> -> memref<20000x128xf32, #tpu.memory_space<hbm>>
      tpu.wait_indirect_dma semaphore(%arg11 : memref<!tpu.dma_semaphore, #tpu.memory_space<semaphore_mem>>) src(%dma_wait3A_432 : memref<20000x128xf32, #tpu.memory_space<hbm>>) dst(%arg9 : memref<128x128xf32, #tpu.memory_space<vmem>>)
      %dma_start3A_433 = arith.constant 14 : i32
      %dma_start3A_434 = arith.constant 0 : i32
      %dma_start3A_435 = tpu.memref_slice %arg6[%dma_start3A_433, %dma_start3A_434] : memref<16x128xi32, #tpu.memory_space<vmem>> -> memref<1x128xi32, #tpu.memory_space<vmem>>
      %dma_start3A_436 = tpu.memref_squeeze %dma_start3A_435 : memref<1x128xi32, #tpu.memory_space<vmem>> -> memref<128xi32, #tpu.memory_space<vmem>>
      %dma_start3A_437 = arith.constant 0 : i32
      %dma_start3A_438 = arith.constant 0 : i32
      %dma_start3A_439 = tpu.memref_slice %arg2[%dma_start3A_437, %dma_start3A_438] : memref<20000x128xf32, #tpu.memory_space<hbm>> -> memref<20000x128xf32, #tpu.memory_space<hbm>>
      tpu.enqueue_indirect_dma source(%dma_start3A_439 : memref<20000x128xf32, #tpu.memory_space<hbm>>) target(%arg8 : memref<128x128xf32, #tpu.memory_space<vmem>>) offsets(%dma_start3A_436 : memref<128xi32, #tpu.memory_space<vmem>>) semaphore(%arg11 : memref<!tpu.dma_semaphore, #tpu.memory_space<semaphore_mem>>)
      %run_scoped3A_440 = arith.constant 13 : i32
      "tpu.region"() ({
        %run_scoped3A_480 = tpu.sem_alloc : memref<!tpu.dma_semaphore, #tpu.memory_space<semaphore_mem>>
        %dma_start3A_481 = arith.constant 0 : i32
        %dma_start3A_482 = tpu.memref_slice %arg7[%run_scoped3A_440, %dma_start3A_481] : memref<16x128xi32, #tpu.memory_space<vmem>> -> memref<1x128xi32, #tpu.memory_space<vmem>>
        %dma_start3A_483 = tpu.memref_squeeze %dma_start3A_482 : memref<1x128xi32, #tpu.memory_space<vmem>> -> memref<128xi32, #tpu.memory_space<vmem>>
        %dma_start3A_484 = arith.constant 0 : i32
        %dma_start3A_485 = arith.constant 0 : i32
        %dma_start3A_486 = tpu.memref_slice %arg10[%dma_start3A_484, %dma_start3A_485] : memref<10240x128xf32, #tpu.memory_space<vmem_shared>> -> memref<10240x128xf32, #tpu.memory_space<vmem_shared>>
        tpu.enqueue_indirect_dma source(%arg9 : memref<128x128xf32, #tpu.memory_space<vmem>>) target(%dma_start3A_486 : memref<10240x128xf32, #tpu.memory_space<vmem_shared>>) offsets(%dma_start3A_483 : memref<128xi32, #tpu.memory_space<vmem>>) semaphore(%run_scoped3A_480 : memref<!tpu.dma_semaphore, #tpu.memory_space<semaphore_mem>>) {add = true}
        %dma_wait3A_487 = arith.constant 0 : i32
        %dma_wait3A_488 = tpu.memref_slice %arg7[%run_scoped3A_440, %dma_wait3A_487] : memref<16x128xi32, #tpu.memory_space<vmem>> -> memref<1x128xi32, #tpu.memory_space<vmem>>
        %dma_wait3A_489 = tpu.memref_squeeze %dma_wait3A_488 : memref<1x128xi32, #tpu.memory_space<vmem>> -> memref<128xi32, #tpu.memory_space<vmem>>
        %dma_wait3A_490 = arith.constant 0 : i32
        %dma_wait3A_491 = arith.constant 0 : i32
        %dma_wait3A_492 = tpu.memref_slice %arg10[%dma_wait3A_490, %dma_wait3A_491] : memref<10240x128xf32, #tpu.memory_space<vmem_shared>> -> memref<10240x128xf32, #tpu.memory_space<vmem_shared>>
        tpu.wait_indirect_dma semaphore(%run_scoped3A_480 : memref<!tpu.dma_semaphore, #tpu.memory_space<semaphore_mem>>) src(%arg9 : memref<128x128xf32, #tpu.memory_space<vmem>>) dst(%dma_wait3A_492 : memref<10240x128xf32, #tpu.memory_space<vmem_shared>>)
        tpu.yield
      }) : () -> ()
      %dma_wait3A_441 = arith.constant 0 : i32
      %dma_wait3A_442 = arith.constant 0 : i32
      %dma_wait3A_443 = tpu.memref_slice %arg6[%dma_wait3A_441, %dma_wait3A_442] : memref<16x128xi32, #tpu.memory_space<vmem>> -> memref<1x128xi32, #tpu.memory_space<vmem>>
      %dma_wait3A_444 = tpu.memref_squeeze %dma_wait3A_443 : memref<1x128xi32, #tpu.memory_space<vmem>> -> memref<128xi32, #tpu.memory_space<vmem>>
      %dma_wait3A_445 = arith.constant 0 : i32
      %dma_wait3A_446 = arith.constant 0 : i32
      %dma_wait3A_447 = tpu.memref_slice %arg2[%dma_wait3A_445, %dma_wait3A_446] : memref<20000x128xf32, #tpu.memory_space<hbm>> -> memref<20000x128xf32, #tpu.memory_space<hbm>>
      tpu.wait_indirect_dma semaphore(%arg11 : memref<!tpu.dma_semaphore, #tpu.memory_space<semaphore_mem>>) src(%dma_wait3A_447 : memref<20000x128xf32, #tpu.memory_space<hbm>>) dst(%arg8 : memref<128x128xf32, #tpu.memory_space<vmem>>)
      %dma_start3A_448 = arith.constant 15 : i32
      %dma_start3A_449 = arith.constant 0 : i32
      %dma_start3A_450 = tpu.memref_slice %arg6[%dma_start3A_448, %dma_start3A_449] : memref<16x128xi32, #tpu.memory_space<vmem>> -> memref<1x128xi32, #tpu.memory_space<vmem>>
      %dma_start3A_451 = tpu.memref_squeeze %dma_start3A_450 : memref<1x128xi32, #tpu.memory_space<vmem>> -> memref<128xi32, #tpu.memory_space<vmem>>
      %dma_start3A_452 = arith.constant 0 : i32
      %dma_start3A_453 = arith.constant 0 : i32
      %dma_start3A_454 = tpu.memref_slice %arg2[%dma_start3A_452, %dma_start3A_453] : memref<20000x128xf32, #tpu.memory_space<hbm>> -> memref<20000x128xf32, #tpu.memory_space<hbm>>
      tpu.enqueue_indirect_dma source(%dma_start3A_454 : memref<20000x128xf32, #tpu.memory_space<hbm>>) target(%arg9 : memref<128x128xf32, #tpu.memory_space<vmem>>) offsets(%dma_start3A_451 : memref<128xi32, #tpu.memory_space<vmem>>) semaphore(%arg11 : memref<!tpu.dma_semaphore, #tpu.memory_space<semaphore_mem>>)
      %run_scoped3A_455 = arith.constant 14 : i32
      "tpu.region"() ({
        %run_scoped3A_480 = tpu.sem_alloc : memref<!tpu.dma_semaphore, #tpu.memory_space<semaphore_mem>>
        %dma_start3A_481 = arith.constant 0 : i32
        %dma_start3A_482 = tpu.memref_slice %arg7[%run_scoped3A_455, %dma_start3A_481] : memref<16x128xi32, #tpu.memory_space<vmem>> -> memref<1x128xi32, #tpu.memory_space<vmem>>
        %dma_start3A_483 = tpu.memref_squeeze %dma_start3A_482 : memref<1x128xi32, #tpu.memory_space<vmem>> -> memref<128xi32, #tpu.memory_space<vmem>>
        %dma_start3A_484 = arith.constant 0 : i32
        %dma_start3A_485 = arith.constant 0 : i32
        %dma_start3A_486 = tpu.memref_slice %arg10[%dma_start3A_484, %dma_start3A_485] : memref<10240x128xf32, #tpu.memory_space<vmem_shared>> -> memref<10240x128xf32, #tpu.memory_space<vmem_shared>>
        tpu.enqueue_indirect_dma source(%arg8 : memref<128x128xf32, #tpu.memory_space<vmem>>) target(%dma_start3A_486 : memref<10240x128xf32, #tpu.memory_space<vmem_shared>>) offsets(%dma_start3A_483 : memref<128xi32, #tpu.memory_space<vmem>>) semaphore(%run_scoped3A_480 : memref<!tpu.dma_semaphore, #tpu.memory_space<semaphore_mem>>) {add = true}
        %dma_wait3A_487 = arith.constant 0 : i32
        %dma_wait3A_488 = tpu.memref_slice %arg7[%run_scoped3A_455, %dma_wait3A_487] : memref<16x128xi32, #tpu.memory_space<vmem>> -> memref<1x128xi32, #tpu.memory_space<vmem>>
        %dma_wait3A_489 = tpu.memref_squeeze %dma_wait3A_488 : memref<1x128xi32, #tpu.memory_space<vmem>> -> memref<128xi32, #tpu.memory_space<vmem>>
        %dma_wait3A_490 = arith.constant 0 : i32
        %dma_wait3A_491 = arith.constant 0 : i32
        %dma_wait3A_492 = tpu.memref_slice %arg10[%dma_wait3A_490, %dma_wait3A_491] : memref<10240x128xf32, #tpu.memory_space<vmem_shared>> -> memref<10240x128xf32, #tpu.memory_space<vmem_shared>>
        tpu.wait_indirect_dma semaphore(%run_scoped3A_480 : memref<!tpu.dma_semaphore, #tpu.memory_space<semaphore_mem>>) src(%arg8 : memref<128x128xf32, #tpu.memory_space<vmem>>) dst(%dma_wait3A_492 : memref<10240x128xf32, #tpu.memory_space<vmem_shared>>)
        tpu.yield
      }) : () -> ()
      %dma_wait3A_456 = arith.constant 0 : i32
      %dma_wait3A_457 = arith.constant 0 : i32
      %dma_wait3A_458 = tpu.memref_slice %arg6[%dma_wait3A_456, %dma_wait3A_457] : memref<16x128xi32, #tpu.memory_space<vmem>> -> memref<1x128xi32, #tpu.memory_space<vmem>>
      %dma_wait3A_459 = tpu.memref_squeeze %dma_wait3A_458 : memref<1x128xi32, #tpu.memory_space<vmem>> -> memref<128xi32, #tpu.memory_space<vmem>>
      %dma_wait3A_460 = arith.constant 0 : i32
      %dma_wait3A_461 = arith.constant 0 : i32
      %dma_wait3A_462 = tpu.memref_slice %arg2[%dma_wait3A_460, %dma_wait3A_461] : memref<20000x128xf32, #tpu.memory_space<hbm>> -> memref<20000x128xf32, #tpu.memory_space<hbm>>
      tpu.wait_indirect_dma semaphore(%arg11 : memref<!tpu.dma_semaphore, #tpu.memory_space<semaphore_mem>>) src(%dma_wait3A_462 : memref<20000x128xf32, #tpu.memory_space<hbm>>) dst(%arg9 : memref<128x128xf32, #tpu.memory_space<vmem>>)
      %run_scoped3A_463 = arith.constant 15 : i32
      "tpu.region"() ({
        %run_scoped3A_480 = tpu.sem_alloc : memref<!tpu.dma_semaphore, #tpu.memory_space<semaphore_mem>>
        %dma_start3A_481 = arith.constant 0 : i32
        %dma_start3A_482 = tpu.memref_slice %arg7[%run_scoped3A_463, %dma_start3A_481] : memref<16x128xi32, #tpu.memory_space<vmem>> -> memref<1x128xi32, #tpu.memory_space<vmem>>
        %dma_start3A_483 = tpu.memref_squeeze %dma_start3A_482 : memref<1x128xi32, #tpu.memory_space<vmem>> -> memref<128xi32, #tpu.memory_space<vmem>>
        %dma_start3A_484 = arith.constant 0 : i32
        %dma_start3A_485 = arith.constant 0 : i32
        %dma_start3A_486 = tpu.memref_slice %arg10[%dma_start3A_484, %dma_start3A_485] : memref<10240x128xf32, #tpu.memory_space<vmem_shared>> -> memref<10240x128xf32, #tpu.memory_space<vmem_shared>>
        tpu.enqueue_indirect_dma source(%arg9 : memref<128x128xf32, #tpu.memory_space<vmem>>) target(%dma_start3A_486 : memref<10240x128xf32, #tpu.memory_space<vmem_shared>>) offsets(%dma_start3A_483 : memref<128xi32, #tpu.memory_space<vmem>>) semaphore(%run_scoped3A_480 : memref<!tpu.dma_semaphore, #tpu.memory_space<semaphore_mem>>) {add = true}
        %dma_wait3A_487 = arith.constant 0 : i32
        %dma_wait3A_488 = tpu.memref_slice %arg7[%run_scoped3A_463, %dma_wait3A_487] : memref<16x128xi32, #tpu.memory_space<vmem>> -> memref<1x128xi32, #tpu.memory_space<vmem>>
        %dma_wait3A_489 = tpu.memref_squeeze %dma_wait3A_488 : memref<1x128xi32, #tpu.memory_space<vmem>> -> memref<128xi32, #tpu.memory_space<vmem>>
        %dma_wait3A_490 = arith.constant 0 : i32
        %dma_wait3A_491 = arith.constant 0 : i32
        %dma_wait3A_492 = tpu.memref_slice %arg10[%dma_wait3A_490, %dma_wait3A_491] : memref<10240x128xf32, #tpu.memory_space<vmem_shared>> -> memref<10240x128xf32, #tpu.memory_space<vmem_shared>>
        tpu.wait_indirect_dma semaphore(%run_scoped3A_480 : memref<!tpu.dma_semaphore, #tpu.memory_space<semaphore_mem>>) src(%arg9 : memref<128x128xf32, #tpu.memory_space<vmem>>) dst(%dma_wait3A_492 : memref<10240x128xf32, #tpu.memory_space<vmem_shared>>)
        tpu.yield
      }) : () -> ()
      %add3A_464 = arith.constant 1 : i32
      %add3A_465 = arith.addi %scan3A_230, %add3A_464 : i32
      %mul3A_466 = arith.constant 16 : i32
      %mul3A_467 = arith.muli %add3A_465, %mul3A_466 : i32
      %add3A_468 = arith.addi %mul3A_123, %mul3A_467 : i32
      "tpu.region"() ({
        %run_scoped3A_480 = tpu.sem_alloc : memref<!tpu.dma_semaphore, #tpu.memory_space<semaphore_mem>>
        %dma_start3A_481 = arith.constant 0 : i32
        %dma_start3A_482 = tpu.memref_slice %arg3[%arg0, %add3A_468, %dma_start3A_481] : memref<2x1296x128xi32, #tpu.memory_space<hbm>> -> memref<1x16x128xi32, #tpu.memory_space<hbm>>
        %dma_start3A_483 = tpu.memref_squeeze %dma_start3A_482 : memref<1x16x128xi32, #tpu.memory_space<hbm>> -> memref<16x128xi32, #tpu.memory_space<hbm>>
        %dma_start3A_484 = arith.constant 0 : i32
        %dma_start3A_485 = tpu.memref_slice %arg3[%arg0, %add3A_468, %dma_start3A_484] : memref<2x1296x128xi32, #tpu.memory_space<hbm>> -> memref<1x16x128xi32, #tpu.memory_space<hbm>>
        %dma_start3A_486 = tpu.memref_squeeze %dma_start3A_485 : memref<1x16x128xi32, #tpu.memory_space<hbm>> -> memref<16x128xi32, #tpu.memory_space<hbm>>
        tpu.enqueue_dma source(%dma_start3A_486 : memref<16x128xi32, #tpu.memory_space<hbm>>) target(%arg6 : memref<16x128xi32, #tpu.memory_space<vmem>>) target_semaphore(%run_scoped3A_480 : memref<!tpu.dma_semaphore, #tpu.memory_space<semaphore_mem>>)
        %dma_wait3A_487 = arith.constant 0 : i32
        %dma_wait3A_488 = tpu.memref_slice %arg3[%arg0, %add3A_468, %dma_wait3A_487] : memref<2x1296x128xi32, #tpu.memory_space<hbm>> -> memref<1x16x128xi32, #tpu.memory_space<hbm>>
        %dma_wait3A_489 = tpu.memref_squeeze %dma_wait3A_488 : memref<1x16x128xi32, #tpu.memory_space<hbm>> -> memref<16x128xi32, #tpu.memory_space<hbm>>
        %dma_wait3A_490 = arith.constant 0 : i32
        %dma_wait3A_491 = tpu.memref_slice %arg3[%arg0, %add3A_468, %dma_wait3A_490] : memref<2x1296x128xi32, #tpu.memory_space<hbm>> -> memref<1x16x128xi32, #tpu.memory_space<hbm>>
        %dma_wait3A_492 = tpu.memref_squeeze %dma_wait3A_491 : memref<1x16x128xi32, #tpu.memory_space<hbm>> -> memref<16x128xi32, #tpu.memory_space<hbm>>
        tpu.wait_dma2 semaphore(%run_scoped3A_480 : memref<!tpu.dma_semaphore, #tpu.memory_space<semaphore_mem>>) src(%dma_wait3A_492 : memref<16x128xi32, #tpu.memory_space<hbm>>) dst(%arg6 : memref<16x128xi32, #tpu.memory_space<vmem>>)
        tpu.yield
      }) : () -> ()
      %mul3A_469 = arith.constant 16 : i32
      %mul3A_470 = arith.muli %add3A_465, %mul3A_469 : i32
      %add3A_471 = arith.addi %mul3A_123, %mul3A_470 : i32
      "tpu.region"() ({
        %run_scoped3A_480 = tpu.sem_alloc : memref<!tpu.dma_semaphore, #tpu.memory_space<semaphore_mem>>
        %dma_start3A_481 = arith.constant 0 : i32
        %dma_start3A_482 = tpu.memref_slice %arg4[%add3A_471, %dma_start3A_481] : memref<1296x128xi32, #tpu.memory_space<hbm>> -> memref<16x128xi32, #tpu.memory_space<hbm>>
        %dma_start3A_483 = arith.constant 0 : i32
        %dma_start3A_484 = tpu.memref_slice %arg4[%add3A_471, %dma_start3A_483] : memref<1296x128xi32, #tpu.memory_space<hbm>> -> memref<16x128xi32, #tpu.memory_space<hbm>>
        tpu.enqueue_dma source(%dma_start3A_484 : memref<16x128xi32, #tpu.memory_space<hbm>>) target(%arg7 : memref<16x128xi32, #tpu.memory_space<vmem>>) target_semaphore(%run_scoped3A_480 : memref<!tpu.dma_semaphore, #tpu.memory_space<semaphore_mem>>)
        %dma_wait3A_485 = arith.constant 0 : i32
        %dma_wait3A_486 = tpu.memref_slice %arg4[%add3A_471, %dma_wait3A_485] : memref<1296x128xi32, #tpu.memory_space<hbm>> -> memref<16x128xi32, #tpu.memory_space<hbm>>
        %dma_wait3A_487 = arith.constant 0 : i32
        %dma_wait3A_488 = tpu.memref_slice %arg4[%add3A_471, %dma_wait3A_487] : memref<1296x128xi32, #tpu.memory_space<hbm>> -> memref<16x128xi32, #tpu.memory_space<hbm>>
        tpu.wait_dma2 semaphore(%run_scoped3A_480 : memref<!tpu.dma_semaphore, #tpu.memory_space<semaphore_mem>>) src(%dma_wait3A_488 : memref<16x128xi32, #tpu.memory_space<hbm>>) dst(%arg7 : memref<16x128xi32, #tpu.memory_space<vmem>>)
        tpu.yield
      }) : () -> ()
      %dma_start3A_472 = arith.constant 0 : i32
      %dma_start3A_473 = arith.constant 0 : i32
      %dma_start3A_474 = tpu.memref_slice %arg6[%dma_start3A_472, %dma_start3A_473] : memref<16x128xi32, #tpu.memory_space<vmem>> -> memref<1x128xi32, #tpu.memory_space<vmem>>
      %dma_start3A_475 = tpu.memref_squeeze %dma_start3A_474 : memref<1x128xi32, #tpu.memory_space<vmem>> -> memref<128xi32, #tpu.memory_space<vmem>>
      %dma_start3A_476 = arith.constant 0 : i32
      %dma_start3A_477 = arith.constant 0 : i32
      %dma_start3A_478 = tpu.memref_slice %arg2[%dma_start3A_476, %dma_start3A_477] : memref<20000x128xf32, #tpu.memory_space<hbm>> -> memref<20000x128xf32, #tpu.memory_space<hbm>>
      tpu.enqueue_indirect_dma source(%dma_start3A_478 : memref<20000x128xf32, #tpu.memory_space<hbm>>) target(%arg8 : memref<128x128xf32, #tpu.memory_space<vmem>>) offsets(%dma_start3A_475 : memref<128xi32, #tpu.memory_space<vmem>>) semaphore(%arg11 : memref<!tpu.dma_semaphore, #tpu.memory_space<semaphore_mem>>)
      %scan3A_479 = arith.constant 0 : i32
      scf.yield %scan3A_479 : i32
    }
    %scan3A_141 = arith.constant 5 : i32
    %dma_wait3A_142 = arith.constant 0 : i32
    %dma_wait3A_143 = arith.constant 0 : i32
    %dma_wait3A_144 = tpu.memref_slice %arg6[%dma_wait3A_142, %dma_wait3A_143] : memref<16x128xi32, #tpu.memory_space<vmem>> -> memref<1x128xi32, #tpu.memory_space<vmem>>
    %dma_wait3A_145 = tpu.memref_squeeze %dma_wait3A_144 : memref<1x128xi32, #tpu.memory_space<vmem>> -> memref<128xi32, #tpu.memory_space<vmem>>
    %dma_wait3A_146 = arith.constant 0 : i32
    %dma_wait3A_147 = arith.constant 0 : i32
    %dma_wait3A_148 = tpu.memref_slice %arg2[%dma_wait3A_146, %dma_wait3A_147] : memref<20000x128xf32, #tpu.memory_space<hbm>> -> memref<20000x128xf32, #tpu.memory_space<hbm>>
    tpu.wait_indirect_dma semaphore(%arg11 : memref<!tpu.dma_semaphore, #tpu.memory_space<semaphore_mem>>) src(%dma_wait3A_148 : memref<20000x128xf32, #tpu.memory_space<hbm>>) dst(%arg8 : memref<128x128xf32, #tpu.memory_space<vmem>>)
    %barrier3A_149 = arith.constant 0 : index
    tpu.barrier barrier_id(%barrier3A_149)
    %mul3A_150 = arith.constant 640 : i32
    %mul3A_151 = arith.muli %arg1, %mul3A_150 : i32
    %add3A_152 = arith.constant 0 : i32
    %add3A_153 = arith.addi %mul3A_151, %add3A_152 : i32
    "tpu.region"() ({
      %run_scoped3A = tpu.sem_alloc : memref<!tpu.dma_semaphore, #tpu.memory_space<semaphore_mem>>
      %dma_start3A_230 = arith.constant 0 : i32
      %dma_start3A_231 = tpu.memref_slice %arg10[%add3A_153, %dma_start3A_230] : memref<10240x128xf32, #tpu.memory_space<vmem_shared>> -> memref<128x128xf32, #tpu.memory_space<vmem_shared>>
      %dma_start3A_232 = arith.constant 0 : i32
      %dma_start3A_233 = tpu.memref_slice %arg10[%add3A_153, %dma_start3A_232] : memref<10240x128xf32, #tpu.memory_space<vmem_shared>> -> memref<128x128xf32, #tpu.memory_space<vmem_shared>>
      tpu.enqueue_dma source(%dma_start3A_233 : memref<128x128xf32, #tpu.memory_space<vmem_shared>>) target(%arg8 : memref<128x128xf32, #tpu.memory_space<vmem>>) target_semaphore(%run_scoped3A : memref<!tpu.dma_semaphore, #tpu.memory_space<semaphore_mem>>)
      %dma_wait3A_234 = arith.constant 0 : i32
      %dma_wait3A_235 = tpu.memref_slice %arg10[%add3A_153, %dma_wait3A_234] : memref<10240x128xf32, #tpu.memory_space<vmem_shared>> -> memref<128x128xf32, #tpu.memory_space<vmem_shared>>
      %dma_wait3A_236 = arith.constant 0 : i32
      %dma_wait3A_237 = tpu.memref_slice %arg10[%add3A_153, %dma_wait3A_236] : memref<10240x128xf32, #tpu.memory_space<vmem_shared>> -> memref<128x128xf32, #tpu.memory_space<vmem_shared>>
      tpu.wait_dma2 semaphore(%run_scoped3A : memref<!tpu.dma_semaphore, #tpu.memory_space<semaphore_mem>>) src(%dma_wait3A_237 : memref<128x128xf32, #tpu.memory_space<vmem_shared>>) dst(%arg8 : memref<128x128xf32, #tpu.memory_space<vmem>>)
      tpu.yield
    }) : () -> ()
    %dma_start3A_154 = arith.constant 0 : i32
    %dma_start3A_155 = tpu.memref_slice %arg5[%arg0, %add3A_153, %dma_start3A_154] : memref<2x10240x128xf32, #tpu.memory_space<hbm>> -> memref<1x128x128xf32, #tpu.memory_space<hbm>>
    %dma_start3A_156 = tpu.memref_squeeze %dma_start3A_155 : memref<1x128x128xf32, #tpu.memory_space<hbm>> -> memref<128x128xf32, #tpu.memory_space<hbm>>
    %dma_start3A_157 = arith.constant 0 : i32
    %dma_start3A_158 = tpu.memref_slice %arg5[%arg0, %add3A_153, %dma_start3A_157] : memref<2x10240x128xf32, #tpu.memory_space<hbm>> -> memref<1x128x128xf32, #tpu.memory_space<hbm>>
    %dma_start3A_159 = tpu.memref_squeeze %dma_start3A_158 : memref<1x128x128xf32, #tpu.memory_space<hbm>> -> memref<128x128xf32, #tpu.memory_space<hbm>>
    tpu.enqueue_dma source(%arg8 : memref<128x128xf32, #tpu.memory_space<vmem>>) target(%dma_start3A_159 : memref<128x128xf32, #tpu.memory_space<hbm>>) target_semaphore(%arg11 : memref<!tpu.dma_semaphore, #tpu.memory_space<semaphore_mem>>)
    %mul3A_160 = arith.constant 640 : i32
    %mul3A_161 = arith.muli %arg1, %mul3A_160 : i32
    %add3A_162 = arith.constant 128 : i32
    %add3A_163 = arith.addi %mul3A_161, %add3A_162 : i32
    "tpu.region"() ({
      %run_scoped3A = tpu.sem_alloc : memref<!tpu.dma_semaphore, #tpu.memory_space<semaphore_mem>>
      %dma_start3A_230 = arith.constant 0 : i32
      %dma_start3A_231 = tpu.memref_slice %arg10[%add3A_163, %dma_start3A_230] : memref<10240x128xf32, #tpu.memory_space<vmem_shared>> -> memref<128x128xf32, #tpu.memory_space<vmem_shared>>
      %dma_start3A_232 = arith.constant 0 : i32
      %dma_start3A_233 = tpu.memref_slice %arg10[%add3A_163, %dma_start3A_232] : memref<10240x128xf32, #tpu.memory_space<vmem_shared>> -> memref<128x128xf32, #tpu.memory_space<vmem_shared>>
      tpu.enqueue_dma source(%dma_start3A_233 : memref<128x128xf32, #tpu.memory_space<vmem_shared>>) target(%arg9 : memref<128x128xf32, #tpu.memory_space<vmem>>) target_semaphore(%run_scoped3A : memref<!tpu.dma_semaphore, #tpu.memory_space<semaphore_mem>>)
      %dma_wait3A_234 = arith.constant 0 : i32
      %dma_wait3A_235 = tpu.memref_slice %arg10[%add3A_163, %dma_wait3A_234] : memref<10240x128xf32, #tpu.memory_space<vmem_shared>> -> memref<128x128xf32, #tpu.memory_space<vmem_shared>>
      %dma_wait3A_236 = arith.constant 0 : i32
      %dma_wait3A_237 = tpu.memref_slice %arg10[%add3A_163, %dma_wait3A_236] : memref<10240x128xf32, #tpu.memory_space<vmem_shared>> -> memref<128x128xf32, #tpu.memory_space<vmem_shared>>
      tpu.wait_dma2 semaphore(%run_scoped3A : memref<!tpu.dma_semaphore, #tpu.memory_space<semaphore_mem>>) src(%dma_wait3A_237 : memref<128x128xf32, #tpu.memory_space<vmem_shared>>) dst(%arg9 : memref<128x128xf32, #tpu.memory_space<vmem>>)
      tpu.yield
    }) : () -> ()
    %dma_start3A_164 = arith.constant 0 : i32
    %dma_start3A_165 = tpu.memref_slice %arg5[%arg0, %add3A_163, %dma_start3A_164] : memref<2x10240x128xf32, #tpu.memory_space<hbm>> -> memref<1x128x128xf32, #tpu.memory_space<hbm>>
    %dma_start3A_166 = tpu.memref_squeeze %dma_start3A_165 : memref<1x128x128xf32, #tpu.memory_space<hbm>> -> memref<128x128xf32, #tpu.memory_space<hbm>>
    %dma_start3A_167 = arith.constant 0 : i32
    %dma_start3A_168 = tpu.memref_slice %arg5[%arg0, %add3A_163, %dma_start3A_167] : memref<2x10240x128xf32, #tpu.memory_space<hbm>> -> memref<1x128x128xf32, #tpu.memory_space<hbm>>
    %dma_start3A_169 = tpu.memref_squeeze %dma_start3A_168 : memref<1x128x128xf32, #tpu.memory_space<hbm>> -> memref<128x128xf32, #tpu.memory_space<hbm>>
    tpu.enqueue_dma source(%arg9 : memref<128x128xf32, #tpu.memory_space<vmem>>) target(%dma_start3A_169 : memref<128x128xf32, #tpu.memory_space<hbm>>) target_semaphore(%arg11 : memref<!tpu.dma_semaphore, #tpu.memory_space<semaphore_mem>>)
    %mul3A_170 = arith.constant 640 : i32
    %mul3A_171 = arith.muli %arg1, %mul3A_170 : i32
    %add3A_172 = arith.constant 256 : i32
    %add3A_173 = arith.addi %mul3A_171, %add3A_172 : i32
    %dma_wait3A_174 = arith.constant 0 : i32
    %dma_wait3A_175 = tpu.memref_slice %arg5[%arg0, %add3A_153, %dma_wait3A_174] : memref<2x10240x128xf32, #tpu.memory_space<hbm>> -> memref<1x128x128xf32, #tpu.memory_space<hbm>>
    %dma_wait3A_176 = tpu.memref_squeeze %dma_wait3A_175 : memref<1x128x128xf32, #tpu.memory_space<hbm>> -> memref<128x128xf32, #tpu.memory_space<hbm>>
    %dma_wait3A_177 = arith.constant 0 : i32
    %dma_wait3A_178 = tpu.memref_slice %arg5[%arg0, %add3A_153, %dma_wait3A_177] : memref<2x10240x128xf32, #tpu.memory_space<hbm>> -> memref<1x128x128xf32, #tpu.memory_space<hbm>>
    %dma_wait3A_179 = tpu.memref_squeeze %dma_wait3A_178 : memref<1x128x128xf32, #tpu.memory_space<hbm>> -> memref<128x128xf32, #tpu.memory_space<hbm>>
    tpu.wait_dma2 semaphore(%arg11 : memref<!tpu.dma_semaphore, #tpu.memory_space<semaphore_mem>>) src(%arg8 : memref<128x128xf32, #tpu.memory_space<vmem>>) dst(%dma_wait3A_179 : memref<128x128xf32, #tpu.memory_space<hbm>>)
    "tpu.region"() ({
      %run_scoped3A = tpu.sem_alloc : memref<!tpu.dma_semaphore, #tpu.memory_space<semaphore_mem>>
      %dma_start3A_230 = arith.constant 0 : i32
      %dma_start3A_231 = tpu.memref_slice %arg10[%add3A_173, %dma_start3A_230] : memref<10240x128xf32, #tpu.memory_space<vmem_shared>> -> memref<128x128xf32, #tpu.memory_space<vmem_shared>>
      %dma_start3A_232 = arith.constant 0 : i32
      %dma_start3A_233 = tpu.memref_slice %arg10[%add3A_173, %dma_start3A_232] : memref<10240x128xf32, #tpu.memory_space<vmem_shared>> -> memref<128x128xf32, #tpu.memory_space<vmem_shared>>
      tpu.enqueue_dma source(%dma_start3A_233 : memref<128x128xf32, #tpu.memory_space<vmem_shared>>) target(%arg8 : memref<128x128xf32, #tpu.memory_space<vmem>>) target_semaphore(%run_scoped3A : memref<!tpu.dma_semaphore, #tpu.memory_space<semaphore_mem>>)
      %dma_wait3A_234 = arith.constant 0 : i32
      %dma_wait3A_235 = tpu.memref_slice %arg10[%add3A_173, %dma_wait3A_234] : memref<10240x128xf32, #tpu.memory_space<vmem_shared>> -> memref<128x128xf32, #tpu.memory_space<vmem_shared>>
      %dma_wait3A_236 = arith.constant 0 : i32
      %dma_wait3A_237 = tpu.memref_slice %arg10[%add3A_173, %dma_wait3A_236] : memref<10240x128xf32, #tpu.memory_space<vmem_shared>> -> memref<128x128xf32, #tpu.memory_space<vmem_shared>>
      tpu.wait_dma2 semaphore(%run_scoped3A : memref<!tpu.dma_semaphore, #tpu.memory_space<semaphore_mem>>) src(%dma_wait3A_237 : memref<128x128xf32, #tpu.memory_space<vmem_shared>>) dst(%arg8 : memref<128x128xf32, #tpu.memory_space<vmem>>)
      tpu.yield
    }) : () -> ()
    %dma_start3A_180 = arith.constant 0 : i32
    %dma_start3A_181 = tpu.memref_slice %arg5[%arg0, %add3A_173, %dma_start3A_180] : memref<2x10240x128xf32, #tpu.memory_space<hbm>> -> memref<1x128x128xf32, #tpu.memory_space<hbm>>
    %dma_start3A_182 = tpu.memref_squeeze %dma_start3A_181 : memref<1x128x128xf32, #tpu.memory_space<hbm>> -> memref<128x128xf32, #tpu.memory_space<hbm>>
    %dma_start3A_183 = arith.constant 0 : i32
    %dma_start3A_184 = tpu.memref_slice %arg5[%arg0, %add3A_173, %dma_start3A_183] : memref<2x10240x128xf32, #tpu.memory_space<hbm>> -> memref<1x128x128xf32, #tpu.memory_space<hbm>>
    %dma_start3A_185 = tpu.memref_squeeze %dma_start3A_184 : memref<1x128x128xf32, #tpu.memory_space<hbm>> -> memref<128x128xf32, #tpu.memory_space<hbm>>
    tpu.enqueue_dma source(%arg8 : memref<128x128xf32, #tpu.memory_space<vmem>>) target(%dma_start3A_185 : memref<128x128xf32, #tpu.memory_space<hbm>>) target_semaphore(%arg11 : memref<!tpu.dma_semaphore, #tpu.memory_space<semaphore_mem>>)
    %mul3A_186 = arith.constant 640 : i32
    %mul3A_187 = arith.muli %arg1, %mul3A_186 : i32
    %add3A_188 = arith.constant 384 : i32
    %add3A_189 = arith.addi %mul3A_187, %add3A_188 : i32
    %dma_wait3A_190 = arith.constant 0 : i32
    %dma_wait3A_191 = tpu.memref_slice %arg5[%arg0, %add3A_163, %dma_wait3A_190] : memref<2x10240x128xf32, #tpu.memory_space<hbm>> -> memref<1x128x128xf32, #tpu.memory_space<hbm>>
    %dma_wait3A_192 = tpu.memref_squeeze %dma_wait3A_191 : memref<1x128x128xf32, #tpu.memory_space<hbm>> -> memref<128x128xf32, #tpu.memory_space<hbm>>
    %dma_wait3A_193 = arith.constant 0 : i32
    %dma_wait3A_194 = tpu.memref_slice %arg5[%arg0, %add3A_163, %dma_wait3A_193] : memref<2x10240x128xf32, #tpu.memory_space<hbm>> -> memref<1x128x128xf32, #tpu.memory_space<hbm>>
    %dma_wait3A_195 = tpu.memref_squeeze %dma_wait3A_194 : memref<1x128x128xf32, #tpu.memory_space<hbm>> -> memref<128x128xf32, #tpu.memory_space<hbm>>
    tpu.wait_dma2 semaphore(%arg11 : memref<!tpu.dma_semaphore, #tpu.memory_space<semaphore_mem>>) src(%arg9 : memref<128x128xf32, #tpu.memory_space<vmem>>) dst(%dma_wait3A_195 : memref<128x128xf32, #tpu.memory_space<hbm>>)
    "tpu.region"() ({
      %run_scoped3A = tpu.sem_alloc : memref<!tpu.dma_semaphore, #tpu.memory_space<semaphore_mem>>
      %dma_start3A_230 = arith.constant 0 : i32
      %dma_start3A_231 = tpu.memref_slice %arg10[%add3A_189, %dma_start3A_230] : memref<10240x128xf32, #tpu.memory_space<vmem_shared>> -> memref<128x128xf32, #tpu.memory_space<vmem_shared>>
      %dma_start3A_232 = arith.constant 0 : i32
      %dma_start3A_233 = tpu.memref_slice %arg10[%add3A_189, %dma_start3A_232] : memref<10240x128xf32, #tpu.memory_space<vmem_shared>> -> memref<128x128xf32, #tpu.memory_space<vmem_shared>>
      tpu.enqueue_dma source(%dma_start3A_233 : memref<128x128xf32, #tpu.memory_space<vmem_shared>>) target(%arg9 : memref<128x128xf32, #tpu.memory_space<vmem>>) target_semaphore(%run_scoped3A : memref<!tpu.dma_semaphore, #tpu.memory_space<semaphore_mem>>)
      %dma_wait3A_234 = arith.constant 0 : i32
      %dma_wait3A_235 = tpu.memref_slice %arg10[%add3A_189, %dma_wait3A_234] : memref<10240x128xf32, #tpu.memory_space<vmem_shared>> -> memref<128x128xf32, #tpu.memory_space<vmem_shared>>
      %dma_wait3A_236 = arith.constant 0 : i32
      %dma_wait3A_237 = tpu.memref_slice %arg10[%add3A_189, %dma_wait3A_236] : memref<10240x128xf32, #tpu.memory_space<vmem_shared>> -> memref<128x128xf32, #tpu.memory_space<vmem_shared>>
      tpu.wait_dma2 semaphore(%run_scoped3A : memref<!tpu.dma_semaphore, #tpu.memory_space<semaphore_mem>>) src(%dma_wait3A_237 : memref<128x128xf32, #tpu.memory_space<vmem_shared>>) dst(%arg9 : memref<128x128xf32, #tpu.memory_space<vmem>>)
      tpu.yield
    }) : () -> ()
    %dma_start3A_196 = arith.constant 0 : i32
    %dma_start3A_197 = tpu.memref_slice %arg5[%arg0, %add3A_189, %dma_start3A_196] : memref<2x10240x128xf32, #tpu.memory_space<hbm>> -> memref<1x128x128xf32, #tpu.memory_space<hbm>>
    %dma_start3A_198 = tpu.memref_squeeze %dma_start3A_197 : memref<1x128x128xf32, #tpu.memory_space<hbm>> -> memref<128x128xf32, #tpu.memory_space<hbm>>
    %dma_start3A_199 = arith.constant 0 : i32
    %dma_start3A_200 = tpu.memref_slice %arg5[%arg0, %add3A_189, %dma_start3A_199] : memref<2x10240x128xf32, #tpu.memory_space<hbm>> -> memref<1x128x128xf32, #tpu.memory_space<hbm>>
    %dma_start3A_201 = tpu.memref_squeeze %dma_start3A_200 : memref<1x128x128xf32, #tpu.memory_space<hbm>> -> memref<128x128xf32, #tpu.memory_space<hbm>>
    tpu.enqueue_dma source(%arg9 : memref<128x128xf32, #tpu.memory_space<vmem>>) target(%dma_start3A_201 : memref<128x128xf32, #tpu.memory_space<hbm>>) target_semaphore(%arg11 : memref<!tpu.dma_semaphore, #tpu.memory_space<semaphore_mem>>)
    %mul3A_202 = arith.constant 640 : i32
    %mul3A_203 = arith.muli %arg1, %mul3A_202 : i32
    %add3A_204 = arith.constant 512 : i32
    %add3A_205 = arith.addi %mul3A_203, %add3A_204 : i32
    %dma_wait3A_206 = arith.constant 0 : i32
    %dma_wait3A_207 = tpu.memref_slice %arg5[%arg0, %add3A_173, %dma_wait3A_206] : memref<2x10240x128xf32, #tpu.memory_space<hbm>> -> memref<1x128x128xf32, #tpu.memory_space<hbm>>
    %dma_wait3A_208 = tpu.memref_squeeze %dma_wait3A_207 : memref<1x128x128xf32, #tpu.memory_space<hbm>> -> memref<128x128xf32, #tpu.memory_space<hbm>>
    %dma_wait3A_209 = arith.constant 0 : i32
    %dma_wait3A_210 = tpu.memref_slice %arg5[%arg0, %add3A_173, %dma_wait3A_209] : memref<2x10240x128xf32, #tpu.memory_space<hbm>> -> memref<1x128x128xf32, #tpu.memory_space<hbm>>
    %dma_wait3A_211 = tpu.memref_squeeze %dma_wait3A_210 : memref<1x128x128xf32, #tpu.memory_space<hbm>> -> memref<128x128xf32, #tpu.memory_space<hbm>>
    tpu.wait_dma2 semaphore(%arg11 : memref<!tpu.dma_semaphore, #tpu.memory_space<semaphore_mem>>) src(%arg8 : memref<128x128xf32, #tpu.memory_space<vmem>>) dst(%dma_wait3A_211 : memref<128x128xf32, #tpu.memory_space<hbm>>)
    "tpu.region"() ({
      %run_scoped3A = tpu.sem_alloc : memref<!tpu.dma_semaphore, #tpu.memory_space<semaphore_mem>>
      %dma_start3A_230 = arith.constant 0 : i32
      %dma_start3A_231 = tpu.memref_slice %arg10[%add3A_205, %dma_start3A_230] : memref<10240x128xf32, #tpu.memory_space<vmem_shared>> -> memref<128x128xf32, #tpu.memory_space<vmem_shared>>
      %dma_start3A_232 = arith.constant 0 : i32
      %dma_start3A_233 = tpu.memref_slice %arg10[%add3A_205, %dma_start3A_232] : memref<10240x128xf32, #tpu.memory_space<vmem_shared>> -> memref<128x128xf32, #tpu.memory_space<vmem_shared>>
      tpu.enqueue_dma source(%dma_start3A_233 : memref<128x128xf32, #tpu.memory_space<vmem_shared>>) target(%arg8 : memref<128x128xf32, #tpu.memory_space<vmem>>) target_semaphore(%run_scoped3A : memref<!tpu.dma_semaphore, #tpu.memory_space<semaphore_mem>>)
      %dma_wait3A_234 = arith.constant 0 : i32
      %dma_wait3A_235 = tpu.memref_slice %arg10[%add3A_205, %dma_wait3A_234] : memref<10240x128xf32, #tpu.memory_space<vmem_shared>> -> memref<128x128xf32, #tpu.memory_space<vmem_shared>>
      %dma_wait3A_236 = arith.constant 0 : i32
      %dma_wait3A_237 = tpu.memref_slice %arg10[%add3A_205, %dma_wait3A_236] : memref<10240x128xf32, #tpu.memory_space<vmem_shared>> -> memref<128x128xf32, #tpu.memory_space<vmem_shared>>
      tpu.wait_dma2 semaphore(%run_scoped3A : memref<!tpu.dma_semaphore, #tpu.memory_space<semaphore_mem>>) src(%dma_wait3A_237 : memref<128x128xf32, #tpu.memory_space<vmem_shared>>) dst(%arg8 : memref<128x128xf32, #tpu.memory_space<vmem>>)
      tpu.yield
    }) : () -> ()
    %dma_start3A_212 = arith.constant 0 : i32
    %dma_start3A_213 = tpu.memref_slice %arg5[%arg0, %add3A_205, %dma_start3A_212] : memref<2x10240x128xf32, #tpu.memory_space<hbm>> -> memref<1x128x128xf32, #tpu.memory_space<hbm>>
    %dma_start3A_214 = tpu.memref_squeeze %dma_start3A_213 : memref<1x128x128xf32, #tpu.memory_space<hbm>> -> memref<128x128xf32, #tpu.memory_space<hbm>>
    %dma_start3A_215 = arith.constant 0 : i32
    %dma_start3A_216 = tpu.memref_slice %arg5[%arg0, %add3A_205, %dma_start3A_215] : memref<2x10240x128xf32, #tpu.memory_space<hbm>> -> memref<1x128x128xf32, #tpu.memory_space<hbm>>
    %dma_start3A_217 = tpu.memref_squeeze %dma_start3A_216 : memref<1x128x128xf32, #tpu.memory_space<hbm>> -> memref<128x128xf32, #tpu.memory_space<hbm>>
    tpu.enqueue_dma source(%arg8 : memref<128x128xf32, #tpu.memory_space<vmem>>) target(%dma_start3A_217 : memref<128x128xf32, #tpu.memory_space<hbm>>) target_semaphore(%arg11 : memref<!tpu.dma_semaphore, #tpu.memory_space<semaphore_mem>>)
    %dma_wait3A_218 = arith.constant 0 : i32
    %dma_wait3A_219 = tpu.memref_slice %arg5[%arg0, %add3A_189, %dma_wait3A_218] : memref<2x10240x128xf32, #tpu.memory_space<hbm>> -> memref<1x128x128xf32, #tpu.memory_space<hbm>>
    %dma_wait3A_220 = tpu.memref_squeeze %dma_wait3A_219 : memref<1x128x128xf32, #tpu.memory_space<hbm>> -> memref<128x128xf32, #tpu.memory_space<hbm>>
    %dma_wait3A_221 = arith.constant 0 : i32
    %dma_wait3A_222 = tpu.memref_slice %arg5[%arg0, %add3A_189, %dma_wait3A_221] : memref<2x10240x128xf32, #tpu.memory_space<hbm>> -> memref<1x128x128xf32, #tpu.memory_space<hbm>>
    %dma_wait3A_223 = tpu.memref_squeeze %dma_wait3A_222 : memref<1x128x128xf32, #tpu.memory_space<hbm>> -> memref<128x128xf32, #tpu.memory_space<hbm>>
    tpu.wait_dma2 semaphore(%arg11 : memref<!tpu.dma_semaphore, #tpu.memory_space<semaphore_mem>>) src(%arg9 : memref<128x128xf32, #tpu.memory_space<vmem>>) dst(%dma_wait3A_223 : memref<128x128xf32, #tpu.memory_space<hbm>>)
    %dma_wait3A_224 = arith.constant 0 : i32
    %dma_wait3A_225 = tpu.memref_slice %arg5[%arg0, %add3A_205, %dma_wait3A_224] : memref<2x10240x128xf32, #tpu.memory_space<hbm>> -> memref<1x128x128xf32, #tpu.memory_space<hbm>>
    %dma_wait3A_226 = tpu.memref_squeeze %dma_wait3A_225 : memref<1x128x128xf32, #tpu.memory_space<hbm>> -> memref<128x128xf32, #tpu.memory_space<hbm>>
    %dma_wait3A_227 = arith.constant 0 : i32
    %dma_wait3A_228 = tpu.memref_slice %arg5[%arg0, %add3A_205, %dma_wait3A_227] : memref<2x10240x128xf32, #tpu.memory_space<hbm>> -> memref<1x128x128xf32, #tpu.memory_space<hbm>>
    %dma_wait3A_229 = tpu.memref_squeeze %dma_wait3A_228 : memref<1x128x128xf32, #tpu.memory_space<hbm>> -> memref<128x128xf32, #tpu.memory_space<hbm>>
    tpu.wait_dma2 semaphore(%arg11 : memref<!tpu.dma_semaphore, #tpu.memory_space<semaphore_mem>>) src(%arg8 : memref<128x128xf32, #tpu.memory_space<vmem>>) dst(%dma_wait3A_229 : memref<128x128xf32, #tpu.memory_space<hbm>>)
    return
  }
}

</mosaic_0001>

<sc_bundles>
// kernel: _sc_agg.3.cloned.1.call-start
scs
__scs_entry_jumppad:
0x0: {  	(pc) =	sbr.rel $0x88, $3  }
0x1: {  	(tag) =	ssettag $0x0;
	lr =	simm.s32 $0x1  }
0x2: {  	[smem:$0x3F9E] =	sst lr;
	_ =	strace $0xD0000000  }
0x3: {  	_ = 	snop  }
0x4: {  	_ = 	snop  }
0x5: {  	_ = 	snop  }
0x6: {  	_ = 	snop  }
0x7: {  	_ = 	snop  }
__scs_overlays_trampoline_lowered:
0x8: {  	[smem:$0x3FAD] =	sst s0  }
0x9: {  	[smem:$0x3FAE] =	sst s1  }
0xa: {  	[smem:$0x3FAF] =	sst s2  }
0xb: {  	[smem:$0x3FB0] =	sst s3  }
0xc: {  	[smem:$0x3FB1] =	sst s4  }
0xd: {  	[smem:$0x3FB2] =	sst s5  }
0xe: {  	[smem:$0x3FB3] =	sst s6  }
0xf: {  	[smem:$0x3FB4] =	sst s7  }
0x10: {  	[smem:$0x3FB5] =	sst s8  }
0x11: {  	[smem:$0x3FB6] =	sst s9;
	s0 =	simm.s32 @!p0 $0x0  }
0x12: {  	s1 =	sld [smem:$0x3F9C];
	s0 =	simm.s32 @p0 $0x1  }
0x13: {  	[smem:$0x3FB7] =	sst s0;
	s0 =	simm.s32 @!p1 $0x0  }
0x14: {  	s2 =	sld [smem:$0x3F9B];
	s0 =	simm.s32 @p1 $0x1  }
0x15: {  	[smem:$0x3FB8] =	sst s0;
	s0 =	simm.s32 @!p2 $0x0  }
0x16: {  	s3 =	sld [smem:$0x3FDB];
	s0 =	simm.s32 @p2 $0x1  }
0x17: {  	s4 =	simm.s32 $0x1BF5;
	[smem:$0x3FBA] =	sst s0  }
0x18: {  	s0 =	sld [smem:$0x3F9D];
	_ =	swait.ge [sflag:s4], $0x0  }
0x19: {  	s7 =	sld [smem:$0x3F9E]  }
0x1a: {  	s8 =	sadd.s32 $0xFFFFE003, lr  }
0x1b: {  	s9 =	sadd.s32 $0xFFFFFEF7, lr;
	s5 =	simm.s32 $0xFFFFFFFF;
	p2 =	slt.u32 s8, $0xFFFFF086  }
0x1c: {  	p1 =	slt.u32 s9, $0xF7A;
	s5 =	simm.s32 @!p2 $0x0  }
0x1d: {  	s5 =	simm.s32 @p1 $0x1;
	p0 =	seq.s32 s7, s2  }
0x1e: {  	s7 =	smul.u32 @!p0 $0xF7A, s2;
	p2 =	seq.s32 @!p0 s5, $0x0  }
0x1f: {  	s9 =	smul.u32 $0xF7A, s1;
	s8 =	simm.s32 @!p0 $0x1BF5;
	p2 =	por !p2, p0  }
0x20: {  	[sflag:s8] =	ssyncset.s32 @!p0 $0xFFFFF086;
	s6 =	sadd.s32 @!p0 s3, s7;
	s7 =	simm.s32 @!p0 $0x108  }
0x21: {  	s3 =	sadd.s32 s3, s9;
	s6 =	sadd.s32 @!p0 $0x88, s6;
	s7 =	simm.s32 @p2 $0x1082  }
0x22: {  	[simem:s7], [sflag:s8] =	dma.local @!p0 [hbm:s6], $0xF7A  }
0x23: {  	s9 =	sor.u32 $0xD0000000, s2;
	s6 =	simm.s32 $0x108;
	_ =	swait.ge @!p0 [sflag:s8], $0x0  }
0x24: {  	s3 =	sadd.s32 $0x88, s3;
	s6 =	simm.s32 @!p1 $0x1082;
	[sflag:s4] =	ssyncset.s32 $0xFFFFF086  }
0x25: {  	[simem:s6], [sflag:s4] =	dma.local [hbm:s3], $0xF7A  }
0x26: {  	[smem:$0x3F9E] =	sst s1;
	(tag) =	ssettag s2;
	_ =	strace s9  }
0x27: {  	s1 =	sld [smem:$0x3FAE]  }
0x28: {  	s2 =	sld [smem:$0x3FAF]  }
0x29: {  	s4 =	sld [smem:$0x3FB1]  }
0x2a: {  	p0 =	seq.s32 s5, $0x0;
	s5 =	sld [smem:$0x3FB2]  }
0x2b: {  	s6 =	sld [smem:$0x3FB3]  }
0x2c: {  	s7 =	sld [smem:$0x3FB4]  }
0x2d: {  	s3 =	simm.s32 $0x108;
	s8 =	sld [smem:$0x3FB5]  }
0x2e: {  	s3 =	simm.s32 @!p0 $0x1082;
	s9 =	sld [smem:$0x3FB6]  }
0x2f: {  	lr =	sadd.s32 s0, s3;
	s0 =	sld [smem:$0x3FAD]  }
0x30: {  	s3 =	sld [smem:$0x3FB0]  }
0x31: {  	[smem:$0x3FB9] =	sst s10  }
0x32: {  	s10 =	sld [smem:$0x3FB7];
	_ =	sdelay $0x3  }
0x33: {  	p0 =	seq.s32 s10, $0x1;
	s10 =	sld [smem:$0x3FB9];
	_ =	sdelay $0x3  }
0x34: {  	[smem:$0x3FB9] =	sst s10  }
0x35: {  	s10 =	sld [smem:$0x3FB8];
	_ =	sdelay $0x3  }
0x36: {  	p1 =	seq.s32 s10, $0x1;
	s10 =	sld [smem:$0x3FB9];
	_ =	sdelay $0x3  }
0x37: {  	[smem:$0x3FB9] =	sst s10  }
0x38: {  	s10 =	sld [smem:$0x3FBA]  }
0x39: {  	_ = 	snop;
	(pc) =	sbr.ind lr, $3  }
0x3a: {  	_ = 	snop  }
0x3b: {  	_ = 	snop  }
0x3c: {  	p2 =	seq.s32 s10, $0x1;
	s10 =	sld [smem:$0x3FB9]  }
0x3d: {  	_ =	shalt  }
0x3e: {  	_ =	shalt  }
0x3f: {  	_ =	shalt  }
0x40: {  	_ =	shalt  }
0x41: {  	_ =	shalt  }
0x42: {  	_ =	shalt  }
0x43: {  	_ =	shalt  }
0x44: {  	_ =	shalt  }
0x45: {  	_ =	shalt  }
0x46: {  	_ =	shalt  }
0x47: {  	_ =	shalt  }
0x48: {  	_ =	shalt  }
0x49: {  	_ =	shalt  }
0x4a: {  	_ =	shalt  }
0x4b: {  	_ =	shalt  }
0x4c: {  	_ =	shalt  }
0x4d: {  	_ =	shalt  }
0x4e: {  	_ =	shalt  }
0x4f: {  	_ =	shalt  }
0x50: {  	_ =	shalt  }
0x51: {  	_ =	shalt  }
0x52: {  	_ =	shalt  }
0x53: {  	_ =	shalt  }
0x54: {  	_ =	shalt  }
0x55: {  	_ =	shalt  }
0x56: {  	_ =	shalt  }
0x57: {  	_ =	shalt  }
0x58: {  	_ =	shalt  }
0x59: {  	_ =	shalt  }
0x5a: {  	_ =	shalt  }
0x5b: {  	_ =	shalt  }
0x5c: {  	_ =	shalt  }
0x5d: {  	_ =	shalt  }
0x5e: {  	_ =	shalt  }
0x5f: {  	_ =	shalt  }
0x60: {  	_ =	shalt  }
0x61: {  	_ =	shalt  }
0x62: {  	_ =	shalt  }
0x63: {  	_ =	shalt  }
0x64: {  	_ =	shalt  }
0x65: {  	_ =	shalt  }
0x66: {  	_ =	shalt  }
0x67: {  	_ =	shalt  }
0x68: {  	_ =	shalt  }
0x69: {  	_ =	shalt  }
0x6a: {  	_ =	shalt  }
0x6b: {  	_ =	shalt  }
0x6c: {  	_ =	shalt  }
0x6d: {  	_ =	shalt  }
0x6e: {  	_ =	shalt  }
0x6f: {  	_ =	shalt  }
0x70: {  	_ =	shalt  }
0x71: {  	_ =	shalt  }
0x72: {  	_ =	shalt  }
0x73: {  	_ =	shalt  }
0x74: {  	_ =	shalt  }
0x75: {  	_ =	shalt  }
0x76: {  	_ =	shalt  }
0x77: {  	_ =	shalt  }
0x78: {  	_ =	shalt  }
0x79: {  	_ =	shalt  }
0x7a: {  	_ =	shalt  }
0x7b: {  	_ =	shalt  }
0x7c: {  	_ =	shalt  }
0x7d: {  	_ =	shalt  }
0x7e: {  	_ =	shalt  }
0x7f: {  	_ =	shalt  }
0x80: {  	_ =	shalt  }
0x81: {  	_ =	shalt  }
0x82: {  	_ =	shalt  }
0x83: {  	_ =	shalt  }
0x84: {  	_ =	shalt  }
0x85: {  	_ =	shalt  }
0x86: {  	_ =	shalt  }
0x87: {  	_ =	shalt  }
.Lfunc_end0:
.L_simem_size_0:
called_computation_lowered:
.L_overlay_start_0:
0x88: {  	s2 =	sld [smem:$0x3FD9]  }
0x89: {  	s3 =	sld [smem:$0x3FFE];
	_ =	sdelay $0x1  }
0x8a: {  	s1 =	srdreg.scid  }
0x8b: {  	s0 =	sand.u32 $0x1, s1  }
0x8c: {  	s18 =	sshll.u32 s0, $0xA;
	s2 =	sadd.s32 s3, s2  }
0x8d: {  	s2 =	sadd.s32 s2, s18  }
0x8e: {  	[smem:$0x3FC5] =	sst s2  }
0x8f: {  	_ = 	snop  }
0x90: {  	s2 =	sld [smem:$0x3FC9]  }
0x91: {  	s19 =	sld [smem:$0x3FC8]  }
0x92: {  	s4 =	sld [smem:$0x3FC7]  }
0x93: {  	s5 =	sld [smem:$0x3FD0];
	(tm) =	ssettm $0x1  }
0x94: {  	s6 =	sld [smem:$0x3FFB];
	_ =	sdelay $0x3  }
0x95: {  	_ =	strace s6  }
0x96: {  	s6 =	sld [smem:$0x3FFC];
	_ =	sdelay $0x3  }
0x97: {  	_ =	strace s6  }
0x98: {  	s6 =	sld [smem:$0x3FFD];
	_ =	sdelay $0x3  }
0x99: {  	_ =	strace s6  }
0x9a: {  	_ =	strace $0x8FFFFFFF  }
0x9b: {  	s20 =	sld [smem:$0x3FDB];
	_ =	sdelay $0x1  }
0x9c: {  	s7 =	simm.s32 $_scs_section_size  }
0x9d: {  	s8 =	simm.s32 $_size__tile_overlayer_lowered;
	s9 =	simm.s32 $_tile_overlayer_lowered  }
0x9e: {  	s23 =	simm.s32 $0x1BFF;
	s22 =	sshll.u32 s9, $0x1;
	s6 =	sadd.s32 s7, s20  }
0x9f: {  	s10 =	simm.s32 $0x0;
	s21 =	sshll.u32 s8, $0x1;
	s8 =	sadd.s32 s22, s6  }
0xa0: {  	[timem:s10], [sflag:s23] =	dma.local [hbm:s8], s21  }
0xa1: {  	_ =	swait.ge [sflag:s23], s21  }
0xa2: {  	s7 =	ssub.s32 $0x0, s21;
	[sflag:s23] =	ssyncset.done $0x0  }
0xa3: {  	[sflag:s23] =	ssyncadd.s32 s7;
	_ =	sdelay $0x1  }
0xa4: {  	s24 =	simm.s32 $0x1B8B  }
0xa5: {  	_ =	swait.ge [sflag:s24], $0x1  }
0xa6: {  	[sflag:s24] =	ssyncset.done $0x0  }
0xa7: {  	s25 =	simm.s32 $0x1B8E;
	[sflag:s24] =	ssyncadd.s32 $0xFFFFFFFF  }
0xa8: {  	s26 =	simm.s32 $execute0_lowered;
	[smem:$0x3FD2] =	sst s25  }
0xa9: {  	s7 =	sshll.u32 s26, $0x1;
	_ =	strace $0x80000046;
	[dreg:$0x1] =	wrdreg $0xFFFFFFFF  }
0xaa: {  	s28 =	simm.s32 $_size_execute0_lowered;
	s6 =	sadd.s32 s6, s7;
	[dreg:$0x0] =	wrdreg $0x0  }
0xab: {  	s7 =	sshll.u32 s28, $0x1;
	[dreg:$0x2] =	wrdreg s6  }
0xac: {  	[dreg:$0x3] =	wrdreg s7  }
0xad: {  	[dreg:$0x4] =	wrdreg $0xC0  }
0xae: {  	_ =	task [dreg:s10], $0x5FFFF  }
0xaf: {  	[dreg:$0x1] =	wrdreg $0xFFFFFFFF  }
0xb0: {  	[dreg:$0x0] =	wrdreg $0x60  }
0xb1: {  	[dreg:$0x2] =	wrdreg s2  }
0xb2: {  	[dreg:$0x3] =	wrdreg s19  }
0xb3: {  	[dreg:$0x4] =	wrdreg s4  }
0xb4: {  	[dreg:$0x5] =	wrdreg s5  }
0xb5: {  	[dreg:$0x6] =	wrdreg $0x90000  }
0xb6: {  	[dreg:$0x7] =	wrdreg $0x9  }
0xb7: {  	_ =	task.clear_ibuf [dreg:s10], $0x8FFFF;
	_ =	strace $0x90000046  }
0xb8: {  	s29 =	simm.s32 $0x9;
	_ =	strace $0x80000048  }
0xb9: {  	_ =	swait.ge [sflag:s29], $0x1  }
0xba: {  	[sflag:s29] =	ssyncadd.s32 $0xFFFFFFFF  }
0xbb: {  	_ =	strace $0x90000048  }
0xbc: {  	_ =	sfence  }
0xbd: {  	s30 =	sld [smem:$0x0];
	_ =	sdelay $0x2  }
0xbe: {  	s31 =	sshll.u32 s1, $0xD;
	s1 =	sshrl.u32 s1, $0x2  }
0xbf: {  	s3 =	sand.u32 $0x4000, s31;
	s1 =	sadd.s32 s1, s30  }
0xc0: {  	s0 =	sor.u32 s3, s0;
	s1 =	sshll.u32 s1, $0x11  }
0xc1: {  	s0 =	sor.u32 s1, s0  }
0xc2: {  	s0 =	sadd.s32 $0x8F2B, s0  }
0xc3: {  	[sflag:s0] =	ssyncadd.remote.s32 $0x1  }
0xc4: {  	_ =	sfence.sel $0xFFFF  }
0xc5: {  	[dreg:$0x0] =	wrdreg $0xFFFFFFFF;
	(pc) =	sbr.abs _section_cstart, $3  }
0xc6: {  	[dreg:$0x1] =	wrdreg $0xFFFFFFFF  }
0xc7: {  	_ =	task.clear_ibuf [dreg:s10], $0x2FFFF;
	_ =	strace $0x9FFFFFFF  }
0xc8: {  	(tm) =	ssettm $0x7FFFFFFF  }
0xc9: {  	_ =	shalt  }
tec
execute0_lowered:
.L_overlay_start_1:
0x0: {  	(tag) =	ssettag $0x1  }
0x1: {  	s1 =	rddreg [dreg:$0x0]  }
0x2: {  	s2 =	rddreg [dreg:$0x1]  }
0x3: {  	s3 =	rddreg [dreg:$0x2]  }
0x4: {  	s0 =	rddreg [dreg:$0x3]  }
0x5: {  	s4 =	rddreg [dreg:$0x4];
	s6 =	srdreg.scid;
	s5 =	simm.s32 $0x0  }
0x6: {  	s18 =	stileid.u32;
	s25 =	simm.s32 $0x100;
	s26 =	simm.s32 $0x880  }
0x7: {  	s28 =	simm.s32 $0x500;
	s29 =	simm.s32 $0xC80;
	s8 =	smul.u32 $0x50000, s18  }
0x8: {  	s30 =	simm.s32 $0x580;
	s31 =	simm.s32 $0xD00;
	s11 =	smul.u32 $0x14000, s18  }
0x9: {  	s6 =	sand.u32 $0x1, s6;
	[smem:$0x7FF] =	sst s5;
	s12 =	smul.u32 $0x2800, s18  }
0xa: {  	s23 =	smul.u32 $0x500, s18;
	_ =	strace $0x80000047;
	[dreg:$0x7] =	wrdreg s25  }
0xb: {  	s18 =	simm.s32 $0x300;
	s10 =	smul.u32 $0x28800, s6;
	[dreg:$0x8] =	wrdreg s26  }
0xc: {  	s7 =	ssub.s32 $0x2, s6;
	s6 =	smul.u32 $0x140000, s6;
	[dreg:$0xf] =	wrdreg s18  }
0xd: {  	s25 =	simm.s32 $0xB80;
	s26 =	simm.s32 $0x480;
	s18 =	simm.s32 $0x0  }
0xe: {  	s9 =	sshrl.u32 s7, $0x1;
	s8 =	sshrl.u32 s8, $0x2;
	s19 =	sadd.s32 $0x4000, s11  }
0xf: {  	s20 =	sadd.s32 $0x8000, s11;
	s14 =	sadd.s32 $0xC000, s11;
	[dreg:$0x14] =	wrdreg s25  }
0x10: {  	s16 =	sadd.s32 $0x10000, s11;
	[dreg:$0x15] =	wrdreg s26;
	s25 =	simm.s32 $0x5000  }
0x11: {  	s26 =	simm.s32 $0xC00;
	s7 =	ssub.s32 s7, s9;
	s13 =	sadd.s32 s19, s4  }
0x12: {  	s9 =	sadd.s32 s8, s4;
	s15 =	sadd.s32 s20, s4;
	[dreg:$0x16] =	wrdreg s13  }
0x13: {  	s21 =	sadd.s32 s14, s4;
	s22 =	sadd.s32 s12, s10;
	[dreg:$0x17] =	wrdreg s15  }
0x14: {  	s24 =	sadd.s32 s6, s20;
	s20 =	simm.s32 $0xA80;
	[dreg:$0x18] =	wrdreg s21  }
0x15: {  	s10 =	sadd.s32 s16, s4;
	s12 =	sshrl.u32 s12, $0x3;
	[dreg:$0x10] =	wrdreg s20  }
0x16: {  	s11 =	sadd.s32 s11, s6;
	s12 =	sadd.s32 s3, s12;
	[dreg:$0x19] =	wrdreg s10  }
0x17: {  	s8 =	sadd.s32 s6, s19;
	s3 =	sadd.s32 s23, s3;
	[dreg:$0x1b] =	wrdreg s12  }
0x18: {  	s17 =	sshrl.u32 s22, $0x3;
	s13 =	simm.s32 $0x200;
	[dreg:$0x6] =	wrdreg s3  }
0x19: {  	s11 =	sshrl.u32 s11, $0x3;
	s19 =	smax.u32 s7, $0x1;
	[dreg:$0xb] =	wrdreg s13  }
0x1a: {  	s8 =	sshrl.u32 s8, $0x3;
	s21 =	sadd.s32 $0x800, s22;
	[smem:$0x7FC] =	sst s19  }
0x1b: {  	s22 =	simm.s32 $0x380;
	s20 =	simm.s32 $0x1000;
	[smem:$0x7FD] =	sst s21  }
0x1c: {  	s23 =	simm.s32 $0xB00;
	s15 =	simm.s32 $0x780;
	[dreg:$0x11] =	wrdreg s22  }
0x1d: {  	s17 =	sadd.s32 s2, s17;
	s11 =	sadd.s32 s0, s11;
	[dreg:$0x12] =	wrdreg s23  }
0x1e: {  	s8 =	sadd.s32 s0, s8;
	s12 =	simm.s32 $0x900;
	[dreg:$0x1a] =	wrdreg s17  }
0x1f: {  	s21 =	simm.s32 $0x1;
	s22 =	simm.s32 $0x2;
	[dreg:$0x1c] =	wrdreg s11  }
0x20: {  	s23 =	simm.s32 $0x800;
	s3 =	simm.s32 $0xD80;
	[dreg:$0x1d] =	wrdreg s8  }
0x21: {  	s11 =	sadd.s32 s6, s14;
	[dreg:$0xa] =	wrdreg s12;
	s14 =	simm.s32 $0x980  }
0x22: {  	s6 =	sadd.s32 s6, s16;
	s16 =	simm.s32 $0x280;
	[dreg:$0xc] =	wrdreg s14  }
0x23: {  	s13 =	simm.s32 $0x700;
	s17 =	simm.s32 $0xA00;
	[dreg:$0xd] =	wrdreg s16  }
0x24: {  	s8 =	sshrl.u32 s24, $0x3;
	s24 =	simm.s32 $0x400;
	[dreg:$0xe] =	wrdreg s17  }
0x25: {  	s12 =	simm.s32 $0xE00;
	s8 =	sadd.s32 s0, s8;
	[dreg:$0x13] =	wrdreg s24  }
0x26: {  	s6 =	sshrl.u32 s6, $0x3;
	[dreg:$0x1e] =	wrdreg s8;
	s8 =	simm.s32 $0x180  }
0x27: {  	s24 =	simm.s32 $0x80;
	[dreg:$0x9] =	wrdreg s8;
	s8 =	sshrl.u32 s11, $0x3  }
0x28: {  	s14 =	simm.s32 $0xE80;
	s16 =	simm.s32 $0xF00;
	s8 =	sadd.s32 s0, s8  }
0x29: {  	s17 =	simm.s32 $0xF80;
	s0 =	sadd.s32 s0, s6;
	[dreg:$0x1f] =	wrdreg s8  }
0x2a: {  	v0 =	vimm.f32 $0.0e+00;
	s11 =	simm.s32 $0x680;
	[smem:$0x7FB] =	sst s0;
	s0 =	simm.s32 $0x600  }
.LBB2_1:
0x2b: {  	s6 =	simm.s32 $0x0;
	s7 =	simm.s32 $0x200  }
.LBB2_2:
0x2c: {  	p0 =	sne.s32 s7, $0xFE00;
	[tilespmem:s6+$0x1070] =	vst v0  }
0x2d: {  	[tilespmem:s6+$0x1000] =	vst v0  }
0x2e: {  	[tilespmem:s6+$0x1010] =	vst v0  }
.Ltmp0:
0x2f: {  	[tilespmem:s6+$0x1020] =	vst v0;
	(pc) =	sbr.rel @p0 .LBB2_2-.Ltmp0, $4  }
0x30: {  	[tilespmem:s6+$0x1030] =	vst v0  }
0x31: {  	[tilespmem:s6+$0x1040] =	vst v0  }
0x32: {  	[tilespmem:s6+$0x1050] =	vst v0  }
0x33: {  	[tilespmem:s6+$0x1060] =	vst v0;
	s6 =	sshra.s32 s7, $0x2;
	s7 =	sadd.s32 $0x200, s7  }
0x34: {  	[tilespmem:s6+$0x1070] =	vst v0  }
0x35: {  	[tilespmem:s6+$0x1000] =	vst v0  }
0x36: {  	[tilespmem:s6+$0x1010] =	vst v0  }
0x37: {  	[tilespmem:s6+$0x1020] =	vst v0  }
0x38: {  	[tilespmem:s6+$0x1030] =	vst v0  }
0x39: {  	[tilespmem:s6+$0x1040] =	vst v0  }
0x3a: {  	[tilespmem:s6+$0x1050] =	vst v0  }
0x3b: {  	[tilespmem:s6+$0x1060] =	vst v0  }
0x3c: {  	[spmem:s9] =	stream.linear.scatter [tilespmem:s20], [sflag:$0x1], $0x4000, $0x38;
	[tilespmem:$0x1D000] =	vst v63  }
0x3d: {  	s8 =	rddreg [dreg:$0x16]  }
0x3e: {  	[spmem:s8] =	stream.linear.scatter [tilespmem:s20], [sflag:$0x1], $0x4000, $0x38;
	[tilespmem:$0x1D000] =	vst v63  }
0x3f: {  	s19 =	smov.u32 s9;
	s9 =	rddreg [dreg:$0x17]  }
0x40: {  	[spmem:s9] =	stream.linear.scatter [tilespmem:s20], [sflag:$0x1], $0x4000, $0x38;
	[tilespmem:$0x1D000] =	vst v63  }
0x41: {  	s7 =	rddreg [dreg:$0x18]  }
0x42: {  	[spmem:s7] =	stream.linear.scatter [tilespmem:s20], [sflag:$0x1], $0x4000, $0x38;
	[tilespmem:$0x1D000] =	vst v63  }
0x43: {  	_ = 	snop  }
0x44: {  	[spmem:s10] =	stream.linear.scatter [tilespmem:s20], [sflag:$0x1], $0x4000, $0x38;
	[tilespmem:$0x1D000] =	vst v63  }
0x45: {  	_ =	swait.ge [sflag:s21], $0x4000  }
0x46: {  	[sflag:s21] =	ssyncset.done $0x0  }
0x47: {  	[sflag:s21] =	ssyncadd.s32 $0xFFFFC000  }
0x48: {  	_ =	swait.ge [sflag:s21], $0x4000  }
0x49: {  	[sflag:s21] =	ssyncset.done $0x0  }
0x4a: {  	[sflag:s21] =	ssyncadd.s32 $0xFFFFC000  }
0x4b: {  	_ =	swait.ge [sflag:s21], $0x4000  }
0x4c: {  	[sflag:s21] =	ssyncset.done $0x0  }
0x4d: {  	[sflag:s21] =	ssyncadd.s32 $0xFFFFC000  }
0x4e: {  	_ =	swait.ge [sflag:s21], $0x4000  }
0x4f: {  	[sflag:s21] =	ssyncset.done $0x0  }
0x50: {  	[sflag:s21] =	ssyncadd.s32 $0xFFFFC000  }
0x51: {  	_ =	swait.ge [sflag:s21], $0x4000  }
0x52: {  	[sflag:s21] =	ssyncset.done $0x0  }
0x53: {  	[sflag:s21] =	ssyncadd.s32 $0xFFFFC000  }
0x54: {  	[bflag:$0x0] =	sbarrier.arrive $0xFFFF  }
0x55: {  	s8 =	rddreg [dreg:$0x1a]  }
0x56: {  	[tilespmem:s5], [sflag:$0x2] =	stream.linear.gather [hbm4b:s8+s5], $0x800, $0x38;
	[tilespmem:$0x1D000] =	vst v63  }
0x57: {  	_ =	swait.ge [sflag:s22], $0x800  }
0x58: {  	[sflag:s22] =	ssyncset.done $0x0  }
0x59: {  	s9 =	rddreg [dreg:$0x1b];
	[sflag:s22] =	ssyncadd.s32 $0xFFFFF800  }
0x5a: {  	[tilespmem:s23], [sflag:$0x2] =	stream.linear.gather [hbm4b:s9+s5], $0x800, $0x38;
	[tilespmem:$0x1D000] =	vst v63  }
0x5b: {  	_ =	swait.ge [sflag:s22], $0x800  }
0x5c: {  	[sflag:s22] =	ssyncset.done $0x0  }
0x5d: {  	[sflag:s22] =	ssyncadd.s32 $0xFFFFF800  }
0x5e: {  	[tilespmem:s20], [sflag:$0x1] =	stream.indirect.gather [hbm4b:s1+s24], $0x80, s5, s24, $0xb8;
	[tilespmem:$0x1D000] =	vst v63  }
0x5f: {  	_ =	swait.ge [sflag:s21], $0x4000  }
0x60: {  	[sflag:s21] =	ssyncset.done $0x0  }
0x61: {  	[sflag:s21] =	ssyncadd.s32 $0xFFFFC000  }
0x62: {  	[tilespmem:s25], [sflag:$0x1] =	stream.indirect.gather [hbm4b:s1+s24], $0x80, s24, s24, $0xb8;
	[tilespmem:$0x1D000] =	vst v63  }
0x63: {  	_ = 	snop  }
0x64: {  	[spmem:s4] =	stream.indirect.scatter.add.f32 [tilespmem:s20], [sflag:$0x2], $0x80, s23, s24, $0xb8;
	[tilespmem:$0x1D000] =	vst v63  }
0x65: {  	_ =	swait.ge [sflag:s22], $0x4000  }
0x66: {  	[sflag:s22] =	ssyncset.done $0x0  }
0x67: {  	[sflag:s22] =	ssyncadd.s32 $0xFFFFC000  }
0x68: {  	_ =	swait.ge [sflag:s21], $0x4000  }
0x69: {  	[sflag:s21] =	ssyncset.done $0x0  }
0x6a: {  	s10 =	rddreg [dreg:$0x7];
	[sflag:s21] =	ssyncadd.s32 $0xFFFFC000  }
0x6b: {  	[tilespmem:s20], [sflag:$0x1] =	stream.indirect.gather [hbm4b:s1+s24], $0x80, s10, s24, $0xb8;
	[tilespmem:$0x1D000] =	vst v63  }
0x6c: {  	s7 =	rddreg [dreg:$0x8]  }
0x6d: {  	[spmem:s4] =	stream.indirect.scatter.add.f32 [tilespmem:s25], [sflag:$0x2], $0x80, s7, s24, $0xb8;
	[tilespmem:$0x1D000] =	vst v63  }
0x6e: {  	_ =	swait.ge [sflag:s22], $0x4000  }
0x6f: {  	[sflag:s22] =	ssyncset.done $0x0  }
0x70: {  	[sflag:s22] =	ssyncadd.s32 $0xFFFFC000  }
0x71: {  	_ =	swait.ge [sflag:s21], $0x4000  }
0x72: {  	[sflag:s21] =	ssyncset.done $0x0  }
0x73: {  	s7 =	rddreg [dreg:$0x9];
	[sflag:s21] =	ssyncadd.s32 $0xFFFFC000  }
0x74: {  	[tilespmem:s25], [sflag:$0x1] =	stream.indirect.gather [hbm4b:s1+s24], $0x80, s7, s24, $0xb8;
	[tilespmem:$0x1D000] =	vst v63  }
0x75: {  	s8 =	rddreg [dreg:$0xa]  }
0x76: {  	[spmem:s4] =	stream.indirect.scatter.add.f32 [tilespmem:s20], [sflag:$0x2], $0x80, s8, s24, $0xb8;
	[tilespmem:$0x1D000] =	vst v63  }
0x77: {  	_ =	swait.ge [sflag:s22], $0x4000  }
0x78: {  	[sflag:s22] =	ssyncset.done $0x0  }
0x79: {  	[sflag:s22] =	ssyncadd.s32 $0xFFFFC000  }
0x7a: {  	_ =	swait.ge [sflag:s21], $0x4000  }
0x7b: {  	[sflag:s21] =	ssyncset.done $0x0  }
0x7c: {  	s9 =	rddreg [dreg:$0xb];
	[sflag:s21] =	ssyncadd.s32 $0xFFFFC000  }
0x7d: {  	[tilespmem:s20], [sflag:$0x1] =	stream.indirect.gather [hbm4b:s1+s24], $0x80, s9, s24, $0xb8;
	[tilespmem:$0x1D000] =	vst v63  }
0x7e: {  	s10 =	rddreg [dreg:$0xc]  }
0x7f: {  	[spmem:s4] =	stream.indirect.scatter.add.f32 [tilespmem:s25], [sflag:$0x2], $0x80, s10, s24, $0xb8;
	[tilespmem:$0x1D000] =	vst v63  }
0x80: {  	_ =	swait.ge [sflag:s22], $0x4000  }
0x81: {  	[sflag:s22] =	ssyncset.done $0x0  }
0x82: {  	[sflag:s22] =	ssyncadd.s32 $0xFFFFC000  }
0x83: {  	_ =	swait.ge [sflag:s21], $0x4000  }
0x84: {  	[sflag:s21] =	ssyncset.done $0x0  }
0x85: {  	s7 =	rddreg [dreg:$0xd];
	[sflag:s21] =	ssyncadd.s32 $0xFFFFC000  }
0x86: {  	[tilespmem:s25], [sflag:$0x1] =	stream.indirect.gather [hbm4b:s1+s24], $0x80, s7, s24, $0xb8;
	[tilespmem:$0x1D000] =	vst v63  }
0x87: {  	s8 =	rddreg [dreg:$0xe]  }
0x88: {  	[spmem:s4] =	stream.indirect.scatter.add.f32 [tilespmem:s20], [sflag:$0x2], $0x80, s8, s24, $0xb8;
	[tilespmem:$0x1D000] =	vst v63  }
0x89: {  	_ =	swait.ge [sflag:s22], $0x4000  }
0x8a: {  	[sflag:s22] =	ssyncset.done $0x0  }
0x8b: {  	[sflag:s22] =	ssyncadd.s32 $0xFFFFC000  }
0x8c: {  	_ =	swait.ge [sflag:s21], $0x4000  }
0x8d: {  	[sflag:s21] =	ssyncset.done $0x0  }
0x8e: {  	s9 =	rddreg [dreg:$0xf];
	[sflag:s21] =	ssyncadd.s32 $0xFFFFC000  }
0x8f: {  	[tilespmem:s20], [sflag:$0x1] =	stream.indirect.gather [hbm4b:s1+s24], $0x80, s9, s24, $0xb8;
	[tilespmem:$0x1D000] =	vst v63  }
0x90: {  	s10 =	rddreg [dreg:$0x10]  }
0x91: {  	[spmem:s4] =	stream.indirect.scatter.add.f32 [tilespmem:s25], [sflag:$0x2], $0x80, s10, s24, $0xb8;
	[tilespmem:$0x1D000] =	vst v63  }
0x92: {  	_ =	swait.ge [sflag:s22], $0x4000  }
0x93: {  	[sflag:s22] =	ssyncset.done $0x0  }
0x94: {  	[sflag:s22] =	ssyncadd.s32 $0xFFFFC000  }
0x95: {  	_ =	swait.ge [sflag:s21], $0x4000  }
0x96: {  	[sflag:s21] =	ssyncset.done $0x0  }
0x97: {  	s7 =	rddreg [dreg:$0x11];
	[sflag:s21] =	ssyncadd.s32 $0xFFFFC000  }
0x98: {  	[tilespmem:s25], [sflag:$0x1] =	stream.indirect.gather [hbm4b:s1+s24], $0x80, s7, s24, $0xb8;
	[tilespmem:$0x1D000] =	vst v63  }
0x99: {  	s8 =	rddreg [dreg:$0x12]  }
0x9a: {  	[spmem:s4] =	stream.indirect.scatter.add.f32 [tilespmem:s20], [sflag:$0x2], $0x80, s8, s24, $0xb8;
	[tilespmem:$0x1D000] =	vst v63  }
0x9b: {  	_ =	swait.ge [sflag:s22], $0x4000  }
0x9c: {  	[sflag:s22] =	ssyncset.done $0x0  }
0x9d: {  	[sflag:s22] =	ssyncadd.s32 $0xFFFFC000  }
0x9e: {  	_ =	swait.ge [sflag:s21], $0x4000  }
0x9f: {  	[sflag:s21] =	ssyncset.done $0x0  }
0xa0: {  	s9 =	rddreg [dreg:$0x13];
	[sflag:s21] =	ssyncadd.s32 $0xFFFFC000  }
0xa1: {  	[tilespmem:s20], [sflag:$0x1] =	stream.indirect.gather [hbm4b:s1+s24], $0x80, s9, s24, $0xb8;
	[tilespmem:$0x1D000] =	vst v63  }
0xa2: {  	s10 =	rddreg [dreg:$0x14]  }
0xa3: {  	[spmem:s4] =	stream.indirect.scatter.add.f32 [tilespmem:s25], [sflag:$0x2], $0x80, s10, s24, $0xb8;
	[tilespmem:$0x1D000] =	vst v63  }
0xa4: {  	_ =	swait.ge [sflag:s22], $0x4000  }
0xa5: {  	[sflag:s22] =	ssyncset.done $0x0  }
0xa6: {  	[sflag:s22] =	ssyncadd.s32 $0xFFFFC000  }
0xa7: {  	_ =	swait.ge [sflag:s21], $0x4000  }
0xa8: {  	[sflag:s21] =	ssyncset.done $0x0  }
0xa9: {  	s7 =	rddreg [dreg:$0x15];
	[sflag:s21] =	ssyncadd.s32 $0xFFFFC000  }
0xaa: {  	[tilespmem:s25], [sflag:$0x1] =	stream.indirect.gather [hbm4b:s1+s24], $0x80, s7, s24, $0xb8;
	[tilespmem:$0x1D000] =	vst v63  }
0xab: {  	_ = 	snop  }
0xac: {  	[spmem:s4] =	stream.indirect.scatter.add.f32 [tilespmem:s20], [sflag:$0x2], $0x80, s26, s24, $0xb8;
	[tilespmem:$0x1D000] =	vst v63  }
0xad: {  	_ =	swait.ge [sflag:s22], $0x4000  }
0xae: {  	[sflag:s22] =	ssyncset.done $0x0  }
0xaf: {  	[sflag:s22] =	ssyncadd.s32 $0xFFFFC000  }
0xb0: {  	_ =	swait.ge [sflag:s21], $0x4000  }
0xb1: {  	[sflag:s21] =	ssyncset.done $0x0  }
0xb2: {  	[sflag:s21] =	ssyncadd.s32 $0xFFFFC000  }
0xb3: {  	[tilespmem:s20], [sflag:$0x1] =	stream.indirect.gather [hbm4b:s1+s24], $0x80, s28, s24, $0xb8;
	[tilespmem:$0x1D000] =	vst v63  }
0xb4: {  	_ = 	snop  }
0xb5: {  	[spmem:s4] =	stream.indirect.scatter.add.f32 [tilespmem:s25], [sflag:$0x2], $0x80, s29, s24, $0xb8;
	[tilespmem:$0x1D000] =	vst v63  }
0xb6: {  	_ =	swait.ge [sflag:s22], $0x4000  }
0xb7: {  	[sflag:s22] =	ssyncset.done $0x0  }
0xb8: {  	[sflag:s22] =	ssyncadd.s32 $0xFFFFC000  }
0xb9: {  	_ =	swait.ge [sflag:s21], $0x4000  }
0xba: {  	[sflag:s21] =	ssyncset.done $0x0  }
0xbb: {  	[sflag:s21] =	ssyncadd.s32 $0xFFFFC000  }
0xbc: {  	[tilespmem:s25], [sflag:$0x1] =	stream.indirect.gather [hbm4b:s1+s24], $0x80, s30, s24, $0xb8;
	[tilespmem:$0x1D000] =	vst v63  }
0xbd: {  	_ = 	snop  }
0xbe: {  	[spmem:s4] =	stream.indirect.scatter.add.f32 [tilespmem:s20], [sflag:$0x2], $0x80, s31, s24, $0xb8;
	[tilespmem:$0x1D000] =	vst v63  }
0xbf: {  	_ =	swait.ge [sflag:s22], $0x4000  }
0xc0: {  	[sflag:s22] =	ssyncset.done $0x0  }
0xc1: {  	[sflag:s22] =	ssyncadd.s32 $0xFFFFC000  }
0xc2: {  	_ =	swait.ge [sflag:s21], $0x4000  }
0xc3: {  	[sflag:s21] =	ssyncset.done $0x0  }
0xc4: {  	[sflag:s21] =	ssyncadd.s32 $0xFFFFC000  }
0xc5: {  	[tilespmem:s20], [sflag:$0x1] =	stream.indirect.gather [hbm4b:s1+s24], $0x80, s0, s24, $0xb8;
	[tilespmem:$0x1D000] =	vst v63  }
0xc6: {  	_ = 	snop  }
0xc7: {  	[spmem:s4] =	stream.indirect.scatter.add.f32 [tilespmem:s25], [sflag:$0x2], $0x80, s3, s24, $0xb8;
	[tilespmem:$0x1D000] =	vst v63  }
0xc8: {  	_ =	swait.ge [sflag:s22], $0x4000  }
0xc9: {  	[sflag:s22] =	ssyncset.done $0x0  }
0xca: {  	[sflag:s22] =	ssyncadd.s32 $0xFFFFC000  }
0xcb: {  	_ =	swait.ge [sflag:s21], $0x4000  }
0xcc: {  	[sflag:s21] =	ssyncset.done $0x0  }
0xcd: {  	[sflag:s21] =	ssyncadd.s32 $0xFFFFC000  }
0xce: {  	[tilespmem:s25], [sflag:$0x1] =	stream.indirect.gather [hbm4b:s1+s24], $0x80, s11, s24, $0xb8;
	[tilespmem:$0x1D000] =	vst v63  }
0xcf: {  	_ = 	snop  }
0xd0: {  	[spmem:s4] =	stream.indirect.scatter.add.f32 [tilespmem:s20], [sflag:$0x2], $0x80, s12, s24, $0xb8;
	[tilespmem:$0x1D000] =	vst v63  }
0xd1: {  	_ =	swait.ge [sflag:s22], $0x4000  }
0xd2: {  	[sflag:s22] =	ssyncset.done $0x0  }
0xd3: {  	[sflag:s22] =	ssyncadd.s32 $0xFFFFC000  }
0xd4: {  	_ =	swait.ge [sflag:s21], $0x4000  }
0xd5: {  	[sflag:s21] =	ssyncset.done $0x0  }
0xd6: {  	[sflag:s21] =	ssyncadd.s32 $0xFFFFC000  }
0xd7: {  	[tilespmem:s20], [sflag:$0x1] =	stream.indirect.gather [hbm4b:s1+s24], $0x80, s13, s24, $0xb8;
	[tilespmem:$0x1D000] =	vst v63  }
0xd8: {  	_ = 	snop  }
0xd9: {  	[spmem:s4] =	stream.indirect.scatter.add.f32 [tilespmem:s25], [sflag:$0x2], $0x80, s14, s24, $0xb8;
	[tilespmem:$0x1D000] =	vst v63  }
0xda: {  	_ =	swait.ge [sflag:s22], $0x4000  }
0xdb: {  	[sflag:s22] =	ssyncset.done $0x0  }
0xdc: {  	[sflag:s22] =	ssyncadd.s32 $0xFFFFC000  }
0xdd: {  	_ =	swait.ge [sflag:s21], $0x4000  }
0xde: {  	[sflag:s21] =	ssyncset.done $0x0  }
0xdf: {  	[sflag:s21] =	ssyncadd.s32 $0xFFFFC000  }
0xe0: {  	[tilespmem:s25], [sflag:$0x1] =	stream.indirect.gather [hbm4b:s1+s24], $0x80, s15, s24, $0xb8;
	[tilespmem:$0x1D000] =	vst v63  }
0xe1: {  	_ = 	snop  }
0xe2: {  	[spmem:s4] =	stream.indirect.scatter.add.f32 [tilespmem:s20], [sflag:$0x2], $0x80, s16, s24, $0xb8;
	[tilespmem:$0x1D000] =	vst v63  }
0xe3: {  	_ =	swait.ge [sflag:s22], $0x4000  }
0xe4: {  	[sflag:s22] =	ssyncset.done $0x0  }
0xe5: {  	[sflag:s22] =	ssyncadd.s32 $0xFFFFC000  }
0xe6: {  	_ =	swait.ge [sflag:s21], $0x4000  }
0xe7: {  	[sflag:s21] =	ssyncset.done $0x0  }
0xe8: {  	[sflag:s21] =	ssyncadd.s32 $0xFFFFC000  }
0xe9: {  	[spmem:s4] =	stream.indirect.scatter.add.f32 [tilespmem:s25], [sflag:$0x2], $0x80, s17, s24, $0xb8;
	[tilespmem:$0x1D000] =	vst v63  }
0xea: {  	_ =	swait.ge [sflag:s22], $0x4000  }
0xeb: {  	s8 =	sld [smem:$0x7FD];
	_ =	sdelay $0x2  }
0xec: {  	[sflag:s22] =	ssyncset.done $0x0;
	s9 =	sshrl.u32 s8, $0x3  }
0xed: {  	[sflag:s22] =	ssyncadd.s32 $0xFFFFC000;
	s6 =	sadd.s32 s2, s9  }
0xee: {  	[tilespmem:s5], [sflag:$0x2] =	stream.linear.gather [hbm4b:s6+s5], $0x800, $0x38;
	[tilespmem:$0x1D000] =	vst v63  }
0xef: {  	_ =	swait.ge [sflag:s22], $0x800  }
0xf0: {  	s10 =	rddreg [dreg:$0x6];
	[sflag:s22] =	ssyncset.done $0x0  }
0xf1: {  	[sflag:s22] =	ssyncadd.s32 $0xFFFFF800;
	s6 =	sadd.s32 $0x100, s10  }
0xf2: {  	[tilespmem:s23], [sflag:$0x2] =	stream.linear.gather [hbm4b:s6+s5], $0x800, $0x38;
	[tilespmem:$0x1D000] =	vst v63  }
0xf3: {  	_ =	swait.ge [sflag:s22], $0x800  }
0xf4: {  	[sflag:s22] =	ssyncset.done $0x0  }
0xf5: {  	s7 =	sadd.s32 $0x800, s8;
	s6 =	simm.s32 $0x200;
	[sflag:s22] =	ssyncadd.s32 $0xFFFFF800  }
.LBB2_4:
0xf6: {  	[tilespmem:s20], [sflag:$0x1] =	stream.indirect.gather [hbm4b:s1+s24], $0x80, s5, s24, $0xb8;
	[tilespmem:$0x1D000] =	vst v63  }
0xf7: {  	_ =	swait.ge [sflag:s21], $0x4000  }
0xf8: {  	[sflag:s21] =	ssyncset.done $0x0  }
0xf9: {  	[sflag:s21] =	ssyncadd.s32 $0xFFFFC000  }
0xfa: {  	[tilespmem:s25], [sflag:$0x1] =	stream.indirect.gather [hbm4b:s1+s24], $0x80, s24, s24, $0xb8;
	[tilespmem:$0x1D000] =	vst v63  }
0xfb: {  	_ = 	snop  }
0xfc: {  	[spmem:s4] =	stream.indirect.scatter.add.f32 [tilespmem:s20], [sflag:$0x2], $0x80, s23, s24, $0xb8;
	[tilespmem:$0x1D000] =	vst v63  }
0xfd: {  	_ =	swait.ge [sflag:s22], $0x4000  }
0xfe: {  	[sflag:s22] =	ssyncset.done $0x0  }
0xff: {  	[sflag:s22] =	ssyncadd.s32 $0xFFFFC000  }
0x100: {  	_ =	swait.ge [sflag:s21], $0x4000  }
0x101: {  	[sflag:s21] =	ssyncset.done $0x0  }
0x102: {  	s9 =	rddreg [dreg:$0x7];
	[sflag:s21] =	ssyncadd.s32 $0xFFFFC000  }
0x103: {  	[tilespmem:s20], [sflag:$0x1] =	stream.indirect.gather [hbm4b:s1+s24], $0x80, s9, s24, $0xb8;
	[tilespmem:$0x1D000] =	vst v63  }
0x104: {  	s10 =	rddreg [dreg:$0x8]  }
0x105: {  	[spmem:s4] =	stream.indirect.scatter.add.f32 [tilespmem:s25], [sflag:$0x2], $0x80, s10, s24, $0xb8;
	[tilespmem:$0x1D000] =	vst v63  }
0x106: {  	_ =	swait.ge [sflag:s22], $0x4000  }
0x107: {  	[sflag:s22] =	ssyncset.done $0x0  }
0x108: {  	[sflag:s22] =	ssyncadd.s32 $0xFFFFC000  }
0x109: {  	_ =	swait.ge [sflag:s21], $0x4000  }
0x10a: {  	[sflag:s21] =	ssyncset.done $0x0  }
0x10b: {  	s9 =	rddreg [dreg:$0x9];
	[sflag:s21] =	ssyncadd.s32 $0xFFFFC000  }
0x10c: {  	[tilespmem:s25], [sflag:$0x1] =	stream.indirect.gather [hbm4b:s1+s24], $0x80, s9, s24, $0xb8;
	[tilespmem:$0x1D000] =	vst v63  }
0x10d: {  	s10 =	rddreg [dreg:$0xa]  }
0x10e: {  	[spmem:s4] =	stream.indirect.scatter.add.f32 [tilespmem:s20], [sflag:$0x2], $0x80, s10, s24, $0xb8;
	[tilespmem:$0x1D000] =	vst v63  }
0x10f: {  	_ =	swait.ge [sflag:s22], $0x4000  }
0x110: {  	[sflag:s22] =	ssyncset.done $0x0  }
0x111: {  	[sflag:s22] =	ssyncadd.s32 $0xFFFFC000  }
0x112: {  	_ =	swait.ge [sflag:s21], $0x4000  }
0x113: {  	[sflag:s21] =	ssyncset.done $0x0  }
0x114: {  	s9 =	rddreg [dreg:$0xb];
	[sflag:s21] =	ssyncadd.s32 $0xFFFFC000  }
0x115: {  	[tilespmem:s20], [sflag:$0x1] =	stream.indirect.gather [hbm4b:s1+s24], $0x80, s9, s24, $0xb8;
	[tilespmem:$0x1D000] =	vst v63  }
0x116: {  	s10 =	rddreg [dreg:$0xc]  }
0x117: {  	[spmem:s4] =	stream.indirect.scatter.add.f32 [tilespmem:s25], [sflag:$0x2], $0x80, s10, s24, $0xb8;
	[tilespmem:$0x1D000] =	vst v63  }
0x118: {  	_ =	swait.ge [sflag:s22], $0x4000  }
0x119: {  	[sflag:s22] =	ssyncset.done $0x0  }
0x11a: {  	[sflag:s22] =	ssyncadd.s32 $0xFFFFC000  }
0x11b: {  	_ =	swait.ge [sflag:s21], $0x4000  }
0x11c: {  	[sflag:s21] =	ssyncset.done $0x0  }
0x11d: {  	s9 =	rddreg [dreg:$0xd];
	[sflag:s21] =	ssyncadd.s32 $0xFFFFC000  }
0x11e: {  	[tilespmem:s25], [sflag:$0x1] =	stream.indirect.gather [hbm4b:s1+s24], $0x80, s9, s24, $0xb8;
	[tilespmem:$0x1D000] =	vst v63  }
0x11f: {  	s10 =	rddreg [dreg:$0xe]  }
0x120: {  	[spmem:s4] =	stream.indirect.scatter.add.f32 [tilespmem:s20], [sflag:$0x2], $0x80, s10, s24, $0xb8;
	[tilespmem:$0x1D000] =	vst v63  }
0x121: {  	_ =	swait.ge [sflag:s22], $0x4000  }
0x122: {  	[sflag:s22] =	ssyncset.done $0x0  }
0x123: {  	[sflag:s22] =	ssyncadd.s32 $0xFFFFC000  }
0x124: {  	_ =	swait.ge [sflag:s21], $0x4000  }
0x125: {  	[sflag:s21] =	ssyncset.done $0x0  }
0x126: {  	s9 =	rddreg [dreg:$0xf];
	[sflag:s21] =	ssyncadd.s32 $0xFFFFC000  }
0x127: {  	[tilespmem:s20], [sflag:$0x1] =	stream.indirect.gather [hbm4b:s1+s24], $0x80, s9, s24, $0xb8;
	[tilespmem:$0x1D000] =	vst v63  }
0x128: {  	s10 =	rddreg [dreg:$0x10]  }
0x129: {  	[spmem:s4] =	stream.indirect.scatter.add.f32 [tilespmem:s25], [sflag:$0x2], $0x80, s10, s24, $0xb8;
	[tilespmem:$0x1D000] =	vst v63  }
0x12a: {  	_ =	swait.ge [sflag:s22], $0x4000  }
0x12b: {  	[sflag:s22] =	ssyncset.done $0x0  }
0x12c: {  	[sflag:s22] =	ssyncadd.s32 $0xFFFFC000  }
0x12d: {  	_ =	swait.ge [sflag:s21], $0x4000  }
0x12e: {  	[sflag:s21] =	ssyncset.done $0x0  }
0x12f: {  	s9 =	rddreg [dreg:$0x11];
	[sflag:s21] =	ssyncadd.s32 $0xFFFFC000  }
0x130: {  	[tilespmem:s25], [sflag:$0x1] =	stream.indirect.gather [hbm4b:s1+s24], $0x80, s9, s24, $0xb8;
	[tilespmem:$0x1D000] =	vst v63  }
0x131: {  	s10 =	rddreg [dreg:$0x12]  }
0x132: {  	[spmem:s4] =	stream.indirect.scatter.add.f32 [tilespmem:s20], [sflag:$0x2], $0x80, s10, s24, $0xb8;
	[tilespmem:$0x1D000] =	vst v63  }
0x133: {  	_ =	swait.ge [sflag:s22], $0x4000  }
0x134: {  	[sflag:s22] =	ssyncset.done $0x0  }
0x135: {  	[sflag:s22] =	ssyncadd.s32 $0xFFFFC000  }
0x136: {  	_ =	swait.ge [sflag:s21], $0x4000  }
0x137: {  	[sflag:s21] =	ssyncset.done $0x0  }
0x138: {  	s9 =	rddreg [dreg:$0x13];
	[sflag:s21] =	ssyncadd.s32 $0xFFFFC000  }
0x139: {  	[tilespmem:s20], [sflag:$0x1] =	stream.indirect.gather [hbm4b:s1+s24], $0x80, s9, s24, $0xb8;
	[tilespmem:$0x1D000] =	vst v63  }
0x13a: {  	s10 =	rddreg [dreg:$0x14]  }
0x13b: {  	[spmem:s4] =	stream.indirect.scatter.add.f32 [tilespmem:s25], [sflag:$0x2], $0x80, s10, s24, $0xb8;
	[tilespmem:$0x1D000] =	vst v63  }
0x13c: {  	_ =	swait.ge [sflag:s22], $0x4000  }
0x13d: {  	[sflag:s22] =	ssyncset.done $0x0  }
0x13e: {  	[sflag:s22] =	ssyncadd.s32 $0xFFFFC000  }
0x13f: {  	_ =	swait.ge [sflag:s21], $0x4000  }
0x140: {  	[sflag:s21] =	ssyncset.done $0x0  }
0x141: {  	s10 =	rddreg [dreg:$0x15];
	[sflag:s21] =	ssyncadd.s32 $0xFFFFC000  }
0x142: {  	[tilespmem:s25], [sflag:$0x1] =	stream.indirect.gather [hbm4b:s1+s24], $0x80, s10, s24, $0xb8;
	[tilespmem:$0x1D000] =	vst v63  }
0x143: {  	_ = 	snop  }
0x144: {  	[spmem:s4] =	stream.indirect.scatter.add.f32 [tilespmem:s20], [sflag:$0x2], $0x80, s26, s24, $0xb8;
	[tilespmem:$0x1D000] =	vst v63  }
0x145: {  	_ =	swait.ge [sflag:s22], $0x4000  }
0x146: {  	[sflag:s22] =	ssyncset.done $0x0  }
0x147: {  	[sflag:s22] =	ssyncadd.s32 $0xFFFFC000  }
0x148: {  	_ =	swait.ge [sflag:s21], $0x4000  }
0x149: {  	[sflag:s21] =	ssyncset.done $0x0  }
0x14a: {  	[sflag:s21] =	ssyncadd.s32 $0xFFFFC000  }
0x14b: {  	[tilespmem:s20], [sflag:$0x1] =	stream.indirect.gather [hbm4b:s1+s24], $0x80, s28, s24, $0xb8;
	[tilespmem:$0x1D000] =	vst v63  }
0x14c: {  	_ = 	snop  }
0x14d: {  	[spmem:s4] =	stream.indirect.scatter.add.f32 [tilespmem:s25], [sflag:$0x2], $0x80, s29, s24, $0xb8;
	[tilespmem:$0x1D000] =	vst v63  }
0x14e: {  	_ =	swait.ge [sflag:s22], $0x4000  }
0x14f: {  	[sflag:s22] =	ssyncset.done $0x0  }
0x150: {  	[sflag:s22] =	ssyncadd.s32 $0xFFFFC000  }
0x151: {  	_ =	swait.ge [sflag:s21], $0x4000  }
0x152: {  	[sflag:s21] =	ssyncset.done $0x0  }
0x153: {  	[sflag:s21] =	ssyncadd.s32 $0xFFFFC000  }
0x154: {  	[tilespmem:s25], [sflag:$0x1] =	stream.indirect.gather [hbm4b:s1+s24], $0x80, s30, s24, $0xb8;
	[tilespmem:$0x1D000] =	vst v63  }
0x155: {  	_ = 	snop  }
0x156: {  	[spmem:s4] =	stream.indirect.scatter.add.f32 [tilespmem:s20], [sflag:$0x2], $0x80, s31, s24, $0xb8;
	[tilespmem:$0x1D000] =	vst v63  }
0x157: {  	_ =	swait.ge [sflag:s22], $0x4000  }
0x158: {  	[sflag:s22] =	ssyncset.done $0x0  }
0x159: {  	[sflag:s22] =	ssyncadd.s32 $0xFFFFC000  }
0x15a: {  	_ =	swait.ge [sflag:s21], $0x4000  }
0x15b: {  	[sflag:s21] =	ssyncset.done $0x0  }
0x15c: {  	[sflag:s21] =	ssyncadd.s32 $0xFFFFC000  }
0x15d: {  	[tilespmem:s20], [sflag:$0x1] =	stream.indirect.gather [hbm4b:s1+s24], $0x80, s0, s24, $0xb8;
	[tilespmem:$0x1D000] =	vst v63  }
0x15e: {  	_ = 	snop  }
0x15f: {  	[spmem:s4] =	stream.indirect.scatter.add.f32 [tilespmem:s25], [sflag:$0x2], $0x80, s3, s24, $0xb8;
	[tilespmem:$0x1D000] =	vst v63  }
0x160: {  	_ =	swait.ge [sflag:s22], $0x4000  }
0x161: {  	[sflag:s22] =	ssyncset.done $0x0  }
0x162: {  	[sflag:s22] =	ssyncadd.s32 $0xFFFFC000  }
0x163: {  	_ =	swait.ge [sflag:s21], $0x4000  }
0x164: {  	[sflag:s21] =	ssyncset.done $0x0  }
0x165: {  	[sflag:s21] =	ssyncadd.s32 $0xFFFFC000  }
0x166: {  	[tilespmem:s25], [sflag:$0x1] =	stream.indirect.gather [hbm4b:s1+s24], $0x80, s11, s24, $0xb8;
	[tilespmem:$0x1D000] =	vst v63  }
0x167: {  	_ = 	snop  }
0x168: {  	[spmem:s4] =	stream.indirect.scatter.add.f32 [tilespmem:s20], [sflag:$0x2], $0x80, s12, s24, $0xb8;
	[tilespmem:$0x1D000] =	vst v63  }
0x169: {  	_ =	swait.ge [sflag:s22], $0x4000  }
0x16a: {  	[sflag:s22] =	ssyncset.done $0x0  }
0x16b: {  	[sflag:s22] =	ssyncadd.s32 $0xFFFFC000  }
0x16c: {  	_ =	swait.ge [sflag:s21], $0x4000  }
0x16d: {  	[sflag:s21] =	ssyncset.done $0x0  }
0x16e: {  	[sflag:s21] =	ssyncadd.s32 $0xFFFFC000  }
0x16f: {  	[tilespmem:s20], [sflag:$0x1] =	stream.indirect.gather [hbm4b:s1+s24], $0x80, s13, s24, $0xb8;
	[tilespmem:$0x1D000] =	vst v63  }
0x170: {  	_ = 	snop  }
0x171: {  	[spmem:s4] =	stream.indirect.scatter.add.f32 [tilespmem:s25], [sflag:$0x2], $0x80, s14, s24, $0xb8;
	[tilespmem:$0x1D000] =	vst v63  }
0x172: {  	_ =	swait.ge [sflag:s22], $0x4000  }
0x173: {  	[sflag:s22] =	ssyncset.done $0x0  }
0x174: {  	[sflag:s22] =	ssyncadd.s32 $0xFFFFC000  }
0x175: {  	_ =	swait.ge [sflag:s21], $0x4000  }
0x176: {  	[sflag:s21] =	ssyncset.done $0x0  }
0x177: {  	[sflag:s21] =	ssyncadd.s32 $0xFFFFC000  }
0x178: {  	[tilespmem:s25], [sflag:$0x1] =	stream.indirect.gather [hbm4b:s1+s24], $0x80, s15, s24, $0xb8;
	[tilespmem:$0x1D000] =	vst v63  }
0x179: {  	_ = 	snop  }
0x17a: {  	[spmem:s4] =	stream.indirect.scatter.add.f32 [tilespmem:s20], [sflag:$0x2], $0x80, s16, s24, $0xb8;
	[tilespmem:$0x1D000] =	vst v63  }
0x17b: {  	_ =	swait.ge [sflag:s22], $0x4000  }
0x17c: {  	[sflag:s22] =	ssyncset.done $0x0  }
0x17d: {  	[sflag:s22] =	ssyncadd.s32 $0xFFFFC000  }
0x17e: {  	_ =	swait.ge [sflag:s21], $0x4000  }
0x17f: {  	[sflag:s21] =	ssyncset.done $0x0  }
0x180: {  	[sflag:s21] =	ssyncadd.s32 $0xFFFFC000  }
0x181: {  	[spmem:s4] =	stream.indirect.scatter.add.f32 [tilespmem:s25], [sflag:$0x2], $0x80, s17, s24, $0xb8;
	[tilespmem:$0x1D000] =	vst v63  }
0x182: {  	_ =	swait.ge [sflag:s22], $0x4000  }
0x183: {  	s10 =	sshrl.u32 s7, $0x3;
	[sflag:s22] =	ssyncset.done $0x0  }
0x184: {  	s9 =	sadd.s32 s2, s10;
	[sflag:s22] =	ssyncadd.s32 $0xFFFFC000  }
0x185: {  	[tilespmem:s5], [sflag:$0x2] =	stream.linear.gather [hbm4b:s9+s5], $0x800, $0x38;
	[tilespmem:$0x1D000] =	vst v63  }
0x186: {  	s8 =	smov.u32 s6;
	_ =	swait.ge [sflag:s22], $0x800  }
0x187: {  	p0 =	sne.s32 s6, $0x500;
	s10 =	rddreg [dreg:$0x6];
	[sflag:s22] =	ssyncset.done $0x0  }
.Ltmp1:
0x188: {  	[sflag:s22] =	ssyncadd.s32 $0xFFFFF800;
	s8 =	sadd.s32 s8, s10;
	(pc) =	sbr.rel @p0 .LBB2_4-.Ltmp1, $4  }
0x189: {  	[tilespmem:s23], [sflag:$0x2] =	stream.linear.gather [hbm4b:s8+s5], $0x800, $0x38;
	[tilespmem:$0x1D000] =	vst v63  }
0x18a: {  	_ =	swait.ge [sflag:s22], $0x800  }
0x18b: {  	[sflag:s22] =	ssyncset.done $0x0  }
0x18c: {  	s6 =	sadd.s32 $0x100, s6;
	s7 =	sadd.s32 $0x800, s7;
	[sflag:s22] =	ssyncadd.s32 $0xFFFFF800  }
0x18d: {  	[tilespmem:s20], [sflag:$0x1] =	stream.indirect.gather [hbm4b:s1+s24], $0x80, s5, s24, $0xb8;
	[tilespmem:$0x1D000] =	vst v63  }
0x18e: {  	_ =	swait.ge [sflag:s21], $0x4000  }
0x18f: {  	[sflag:s21] =	ssyncset.done $0x0  }
0x190: {  	[sflag:s21] =	ssyncadd.s32 $0xFFFFC000  }
0x191: {  	[bflag:$0x0] =	sbarrier.arrive $0xFFFF  }
0x192: {  	[tilespmem:s20], [sflag:$0x2] =	stream.linear.gather [spmem:s19], $0x4000, $0x38;
	[tilespmem:$0x1D000] =	vst v63  }
0x193: {  	_ =	swait.ge [sflag:s22], $0x4000  }
0x194: {  	[sflag:s22] =	ssyncset.done $0x0  }
0x195: {  	s6 =	rddreg [dreg:$0x1c];
	[sflag:s22] =	ssyncadd.s32 $0xFFFFC000  }
0x196: {  	[hbm4b:s6+s5] =	stream.linear.scatter [tilespmem:s20], [sflag:$0x1], $0x4000, $0x38;
	[tilespmem:$0x1D000] =	vst v63  }
0x197: {  	s9 =	smov.u32 s19;
	s19 =	rddreg [dreg:$0x16]  }
0x198: {  	[tilespmem:s25], [sflag:$0x2] =	stream.linear.gather [spmem:s19], $0x4000, $0x38;
	[tilespmem:$0x1D000] =	vst v63  }
0x199: {  	_ =	swait.ge [sflag:s22], $0x4000  }
0x19a: {  	[sflag:s22] =	ssyncset.done $0x0  }
0x19b: {  	s7 =	rddreg [dreg:$0x1d];
	[sflag:s22] =	ssyncadd.s32 $0xFFFFC000  }
0x19c: {  	[hbm4b:s7+s5] =	stream.linear.scatter [tilespmem:s25], [sflag:$0x1], $0x4000, $0x38;
	[tilespmem:$0x1D000] =	vst v63  }
0x19d: {  	_ =	swait.ge [sflag:s21], $0x4000  }
0x19e: {  	[sflag:s21] =	ssyncset.done $0x0  }
0x19f: {  	s8 =	rddreg [dreg:$0x17];
	[sflag:s21] =	ssyncadd.s32 $0xFFFFC000  }
0x1a0: {  	[tilespmem:s20], [sflag:$0x2] =	stream.linear.gather [spmem:s8], $0x4000, $0x38;
	[tilespmem:$0x1D000] =	vst v63  }
0x1a1: {  	_ =	swait.ge [sflag:s22], $0x4000  }
0x1a2: {  	[sflag:s22] =	ssyncset.done $0x0  }
0x1a3: {  	s10 =	rddreg [dreg:$0x1e];
	[sflag:s22] =	ssyncadd.s32 $0xFFFFC000  }
0x1a4: {  	[hbm4b:s10+s5] =	stream.linear.scatter [tilespmem:s20], [sflag:$0x1], $0x4000, $0x38;
	[tilespmem:$0x1D000] =	vst v63  }
0x1a5: {  	_ =	swait.ge [sflag:s21], $0x4000  }
0x1a6: {  	[sflag:s21] =	ssyncset.done $0x0  }
0x1a7: {  	s19 =	rddreg [dreg:$0x18];
	[sflag:s21] =	ssyncadd.s32 $0xFFFFC000  }
0x1a8: {  	[tilespmem:s25], [sflag:$0x2] =	stream.linear.gather [spmem:s19], $0x4000, $0x38;
	[tilespmem:$0x1D000] =	vst v63  }
0x1a9: {  	_ =	swait.ge [sflag:s22], $0x4000  }
0x1aa: {  	[sflag:s22] =	ssyncset.done $0x0  }
0x1ab: {  	s7 =	rddreg [dreg:$0x1f];
	[sflag:s22] =	ssyncadd.s32 $0xFFFFC000  }
0x1ac: {  	[hbm4b:s7+s5] =	stream.linear.scatter [tilespmem:s25], [sflag:$0x1], $0x4000, $0x38;
	[tilespmem:$0x1D000] =	vst v63  }
0x1ad: {  	_ =	swait.ge [sflag:s21], $0x4000  }
0x1ae: {  	[sflag:s21] =	ssyncset.done $0x0  }
0x1af: {  	s10 =	rddreg [dreg:$0x19];
	[sflag:s21] =	ssyncadd.s32 $0xFFFFC000  }
0x1b0: {  	[tilespmem:s20], [sflag:$0x2] =	stream.linear.gather [spmem:s10], $0x4000, $0x38;
	[tilespmem:$0x1D000] =	vst v63  }
0x1b1: {  	_ =	swait.ge [sflag:s22], $0x4000  }
0x1b2: {  	s8 =	sld [smem:$0x7FB]  }
0x1b3: {  	[sflag:s22] =	ssyncset.done $0x0  }
0x1b4: {  	[sflag:s22] =	ssyncadd.s32 $0xFFFFC000  }
0x1b5: {  	[hbm4b:s8+s5] =	stream.linear.scatter [tilespmem:s20], [sflag:$0x1], $0x4000, $0x38;
	[tilespmem:$0x1D000] =	vst v63  }
0x1b6: {  	_ =	swait.ge [sflag:s21], $0x4000  }
0x1b7: {  	[sflag:s21] =	ssyncset.done $0x0  }
0x1b8: {  	[sflag:s21] =	ssyncadd.s32 $0xFFFFC000  }
0x1b9: {  	_ =	swait.ge [sflag:s21], $0x4000  }
0x1ba: {  	s19 =	sld [smem:$0x7FC];
	_ =	sdelay $0x1  }
0x1bb: {  	s18 =	sadd.s32 $0x1, s18  }
0x1bc: {  	p0 =	sne.s32 s18, s19  }
.Ltmp2:
0x1bd: {  	_ = 	snop;
	(pc) =	sbr.rel @p0 .LBB2_1-.Ltmp2, $3  }
0x1be: {  	_ =	sdelay $0x1  }
0x1bf: {  	[sflag:s21] =	ssyncset.done $0x0  }
0x1c0: {  	[sflag:s21] =	ssyncadd.s32 $0xFFFFC000  }
0x1c1: {  	_ =	sfence.sel $0x180000  }
0x1c2: {  	[bflag:$0x0] =	sbarrier.arrive $0xFFFF  }
0x1c3: {  	_ =	strace $0x90000047  }
0x1c4: {  	s0 =	stileid.u32;
	[bflag:$0x2] =	sbarrier.arrive $0xFFFF  }
0x1c5: {  	p0 =	sne.s32 s0, $0x0;
	s0 =	rddreg [dreg:$0x5]  }
0x1c6: {  	s0 =	sadd.s32 @!p0 $0x100000, s0  }
0x1c7: {  	[sflag:s0] =	ssyncadd.tile.s32 @!p0 $0x1;
	_ =	shalt  }
.Lfunc_end2:
_tile_overlayer_lowered:
.L_overlay_start_2:
0x1c8: {  	(tag) =	ssettag $0x2  }
0x1c9: {  	s0 =	rddreg [dreg:$0x0];
	s2 =	stileid.u32  }
0x1ca: {  	s1 =	rddreg [dreg:$0x1];
	p0 =	sne.s32 s2, $0x0  }
0x1cb: {  	s3 =	rddreg [dreg:$0x2];
	[bflag:$0x3] =	sbarrier.arrive $0xFFFF;
	s2 =	simm.s32 @!p0 $0x1C02  }
0x1cc: {  	[timem:s3], [sflag:s2] =	dma.local @!p0 [hbm:s0], s1  }
0x1cd: {  	s0 =	simm.s32 @!p0 $0x2  }
0x1ce: {  	_ =	swait.ge @!p0 [sflag:s0], s1  }
0x1cf: {  	s1 =	ssub.s32 @!p0 $0x0, s1;
	[sflag:s0] =	ssyncset.done @!p0 $0x0  }
0x1d0: {  	[sflag:s0] =	ssyncadd.s32 @!p0 s1  }
0x1d1: {  	[bflag:$0x3] =	sbarrier.arrive $0xFFFF  }
0x1d2: {  	_ =	shalt  }

</sc_bundles>
